<compile_context>
chip_gen: v7x
topology: tpu7x:2x2x1
jax: 0.10.2.dev20260603
libtpu: 0.0.44.dev20260713+nightly
codegen_flags: <defaults>
</compile_context>

<pallas_src>
import functools

import jax
import jax.numpy as jnp
from jax import lax
from jax.experimental import pallas as pl
from jax.experimental.pallas import tpu as pltpu
from jax.experimental.pallas import tpu_sc as plsc

S = 2048
HD = 64
TR = 4096
NW = 32
GROUP_ROWS = 8 * TR

_mesh = plsc.VectorSubcoreMesh(core_axis_name="c", subcore_axis_name="s")


@functools.partial(
    pl.kernel,
    mesh=_mesh,
    out_type=jax.ShapeDtypeStruct((S, 8, 16, 8, 128), jnp.float32),
    scratch_types=[
        pltpu.VMEM((GROUP_ROWS + 128,), jnp.float32),
        pltpu.VMEM((2, 32, 8, 128), jnp.float32),
        pltpu.SemaphoreType.DMA,
    ],
)
def _relpos_slabs(t3_hbm, out_hbm, buf, tst, sem):
    c = lax.axis_index("c")
    s = lax.axis_index("s")
    wid = s * 2 + c
    g = wid // 4
    o_base = (wid % 4) * 32

    pltpu.sync_copy(t3_hbm.at[pl.ds(g * GROUP_ROWS, GROUP_ROWS)], buf.at[pl.ds(0, GROUP_ROWS)])

    def drain(r, inner):
        pltpu.make_async_copy(
            tst.at[0, pl.ds(0, 16)], out_hbm.at[0, 0], sem
        ).wait()
        return inner

    def otask(oo, carry):
        o = o_base + oo
        p = oo % 2

        @pl.when(oo >= 2)
        def _():
            lax.fori_loop(0, 16, drain, 0)

        def build(m, inner):
            for hd8 in range(8):
                for k in range(8):
                    v = buf[pl.ds(hd8 * TR + 128 * m + o + 16 * k, 16)]
                    tst[p, m, hd8, pl.ds(16 * k, 16)] = v
            return inner

        lax.fori_loop(0, 32, build, 0)

        def fire(m0, inner):
            i = S - o - 128 * m0

            @pl.when(jnp.logical_and(i >= 0, i < S))
            def _():
                pltpu.async_copy(tst.at[p, pl.ds(m0, 16)], out_hbm.at[i, g], sem)

            return inner

        return lax.fori_loop(0, 17, fire, carry)

    lax.fori_loop(0, 32, otask, 0)
    lax.fori_loop(0, 32, drain, 0)


def kernel(seq_length, table):
    del seq_length
    t3 = jnp.transpose(table[:TR]).reshape(HD * TR)
    out5 = _relpos_slabs(t3)
    return jnp.transpose(out5, (0, 2, 4, 1, 3)).reshape(S, S, HD)

# --- scband reference (transcript-rebuilt; emitter-appended) ---
"""Pipeline reference for scband-secure-relative-positional-embedding-82961588289950 (READ-ONLY COPY).

The authoritative reference and input builder live on the scoring server;
editing this copy changes nothing except your own understanding.
"""

import jax, jax.numpy as jnp
import numpy as np

MAX_POSITION_EMBEDDINGS = 2048
HEAD_DIM = 64  # hidden_size 1024 / num_attention_heads 16
MAX_RELATIVE_POSITIONS = 2 * MAX_POSITION_EMBEDDINGS + 1  # 4097

def setup_inputs(seed: int = 0) -> dict:
    key = jax.random.key(seed)
    table = jax.random.normal(key, (MAX_RELATIVE_POSITIONS, HEAD_DIM), dtype=jnp.float32) * 0.02
    return {"seq_length": 2048, "table": table}

def reference(seq_length, table):
    # Faithful translation of SecureRelativePositionalEmbedding.forward
    static_len = MAX_POSITION_EMBEDDINGS
    range_vec = jnp.arange(static_len) + (seq_length - static_len)
    range_mat = jnp.broadcast_to(range_vec[None, :], (static_len, static_len))
    distance_mat = range_mat - range_mat.T
    max_distance = MAX_RELATIVE_POSITIONS // 2  # 2048
    distance_mat_clipped = jnp.clip(distance_mat, -max_distance, max_distance)
    final_mat = distance_mat_clipped + max_distance
    embeddings = jnp.take(table, final_mat, axis=0)  # [S, S, head_dim]
    return embeddings

if __name__ == "__main__":
    import jax
    _d = setup_inputs()
    print(jax.jit(kernel)(*tuple(_d.values())))

</pallas_src>

<mosaic_0001>
#map = affine_map<(d0, d1) -> (0)>
#map1 = affine_map<(d0, d1) -> (0, 0, 0, 0, 0)>
module attributes {stable_mosaic.version = 14 : i64} {
  func.func @_relpos_slabs(%arg0: i32, %arg1: i32, %arg2: memref<262144xf32, #tpu.memory_space<hbm>>, %arg3: memref<2048x8x16x8x128xf32, #tpu.memory_space<hbm>>, %arg4: memref<32896xf32, #tpu.memory_space<vmem>>, %arg5: memref<2x32x8x128xf32, #tpu.memory_space<vmem>>, %arg6: memref<!tpu.dma_semaphore, #tpu.memory_space<semaphore_mem>>) attributes {dimension_semantics = [#tpu.dimension_semantics<core_parallel>, #tpu.dimension_semantics<subcore_parallel>], iteration_bounds = array<i64: 2, 16>, scalar_prefetch = 0 : i64, scratch_operands = 3 : i64, tpu.core_type = #tpu.core_type<sc_vector_subcore>, window_params = [{transform_indices = #map}, {transform_indices = #map1}]} {
    %mul3A = arith.constant 2 : i32
    %mul3A_0 = arith.muli %arg1, %mul3A : i32
    %add3A = arith.addi %mul3A_0, %arg0 : i32
    %jit3A = arith.constant 4 : i32
    %div3A = arith.divsi %add3A, %jit3A : i32
    %sign3A = arith.constant 0 : i32
    %sign3A_1 = arith.cmpi sgt, %add3A, %sign3A : i32
    %sign3A_2 = arith.extui %sign3A_1 : i1 to i32
    %sign3A_3 = arith.constant 0 : i32
    %sign3A_4 = arith.cmpi slt, %add3A, %sign3A_3 : i32
    %sign3A_5 = arith.extui %sign3A_4 : i1 to i32
    %sign3A_6 = arith.subi %sign3A_2, %sign3A_5 : i32
    %sign3A_7 = arith.constant 0 : i32
    %sign3A_8 = arith.cmpi sgt, %jit3A, %sign3A_7 : i32
    %sign3A_9 = arith.extui %sign3A_8 : i1 to i32
    %sign3A_10 = arith.constant 0 : i32
    %sign3A_11 = arith.cmpi slt, %jit3A, %sign3A_10 : i32
    %sign3A_12 = arith.extui %sign3A_11 : i1 to i32
    %sign3A_13 = arith.subi %sign3A_9, %sign3A_12 : i32
    %ne3A = arith.cmpi ne, %sign3A_6, %sign3A_13 : i32
    %rem3A = arith.remsi %add3A, %jit3A : i32
    %ne3A_14 = arith.constant 0 : i32
    %ne3A_15 = arith.cmpi ne, %rem3A, %ne3A_14 : i32
    %and3A = arith.andi %ne3A, %ne3A_15 : i1
    %sub3A = arith.constant 1 : i32
    %sub3A_16 = arith.subi %div3A, %sub3A : i32
    %select_n3A = arith.select %and3A, %sub3A_16, %div3A : i32
    %jit3A_17 = arith.constant 4 : i32
    %eq3A = arith.constant 0 : i32
    %eq3A_18 = arith.cmpi eq, %jit3A_17, %eq3A : i32
    %jit3A_19 = arith.constant 1 : i32
    %select_n3A_20 = arith.select %eq3A_18, %jit3A_19, %jit3A_17 : i32
    %rem3A_21 = arith.remsi %add3A, %select_n3A_20 : i32
    %ne3A_22 = arith.constant 0 : i32
    %ne3A_23 = arith.cmpi ne, %rem3A_21, %ne3A_22 : i32
    %lt3A = arith.constant 0 : i32
    %lt3A_24 = arith.cmpi slt, %rem3A_21, %lt3A : i32
    %lt3A_25 = arith.constant 0 : i32
    %lt3A_26 = arith.cmpi slt, %select_n3A_20, %lt3A_25 : i32
    %ne3A_27 = arith.xori %lt3A_24, %lt3A_26 : i1
    %and3A_28 = arith.andi %ne3A_27, %ne3A_23 : i1
    %add3A_29 = arith.addi %rem3A_21, %select_n3A_20 : i32
    %select_n3A_30 = arith.select %and3A_28, %add3A_29, %rem3A_21 : i32
    %mul3A_31 = arith.constant 32 : i32
    %mul3A_32 = arith.muli %select_n3A_30, %mul3A_31 : i32
    %mul3A_33 = arith.constant 32768 : i32
    %mul3A_34 = arith.muli %select_n3A, %mul3A_33 : i32
    "tpu.region"() ({
      %run_scoped3A = tpu.sem_alloc : memref<!tpu.dma_semaphore, #tpu.memory_space<semaphore_mem>>
      %dma_start3A = arith.constant 0 : i32
      %dma_start3A_46 = tpu.memref_slice %arg4[%dma_start3A] : memref<32896xf32, #tpu.memory_space<vmem>> -> memref<32768xf32, #tpu.memory_space<vmem>>
      %dma_start3A_47 = tpu.memref_slice %arg2[%mul3A_34] : memref<262144xf32, #tpu.memory_space<hbm>> -> memref<32768xf32, #tpu.memory_space<hbm>>
      %dma_start3A_48 = arith.constant 0 : i32
      %dma_start3A_49 = tpu.memref_slice %arg4[%dma_start3A_48] : memref<32896xf32, #tpu.memory_space<vmem>> -> memref<32768xf32, #tpu.memory_space<vmem>>
      %dma_start3A_50 = tpu.memref_slice %arg2[%mul3A_34] : memref<262144xf32, #tpu.memory_space<hbm>> -> memref<32768xf32, #tpu.memory_space<hbm>>
      tpu.enqueue_dma source(%dma_start3A_50 : memref<32768xf32, #tpu.memory_space<hbm>>) target(%dma_start3A_49 : memref<32768xf32, #tpu.memory_space<vmem>>) target_semaphore(%run_scoped3A : memref<!tpu.dma_semaphore, #tpu.memory_space<semaphore_mem>>)
      %dma_wait3A = arith.constant 0 : i32
      %dma_wait3A_51 = tpu.memref_slice %arg4[%dma_wait3A] : memref<32896xf32, #tpu.memory_space<vmem>> -> memref<32768xf32, #tpu.memory_space<vmem>>
      %dma_wait3A_52 = tpu.memref_slice %arg2[%mul3A_34] : memref<262144xf32, #tpu.memory_space<hbm>> -> memref<32768xf32, #tpu.memory_space<hbm>>
      %dma_wait3A_53 = arith.constant 0 : i32
      %dma_wait3A_54 = tpu.memref_slice %arg4[%dma_wait3A_53] : memref<32896xf32, #tpu.memory_space<vmem>> -> memref<32768xf32, #tpu.memory_space<vmem>>
      %dma_wait3A_55 = tpu.memref_slice %arg2[%mul3A_34] : memref<262144xf32, #tpu.memory_space<hbm>> -> memref<32768xf32, #tpu.memory_space<hbm>>
      tpu.wait_dma2 semaphore(%run_scoped3A : memref<!tpu.dma_semaphore, #tpu.memory_space<semaphore_mem>>) src(%dma_wait3A_55 : memref<32768xf32, #tpu.memory_space<hbm>>) dst(%dma_wait3A_54 : memref<32768xf32, #tpu.memory_space<vmem>>)
      tpu.yield
    }) : () -> ()
    %scan3A = arith.constant 0 : i32
    %scan3A_35 = arith.constant 0 : i32
    %scan3A_36 = arith.constant 32 : i32
    %scan3A_37 = arith.addi %scan3A_35, %scan3A_36 : i32
    %scan3A_38 = arith.constant 1 : i32
    scf.for %scan3A_46 = %scan3A_35 to %scan3A_37 step %scan3A_38  : i32 {
      %add3A_47 = arith.addi %mul3A_32, %scan3A_46 : i32
      %jit3A_48 = arith.constant 2 : i32
      %eq3A_49 = arith.constant 0 : i32
      %eq3A_50 = arith.cmpi eq, %jit3A_48, %eq3A_49 : i32
      %jit3A_51 = arith.constant 1 : i32
      %select_n3A_52 = arith.select %eq3A_50, %jit3A_51, %jit3A_48 : i32
      %rem3A_53 = arith.remsi %scan3A_46, %select_n3A_52 : i32
      %ne3A_54 = arith.constant 0 : i32
      %ne3A_55 = arith.cmpi ne, %rem3A_53, %ne3A_54 : i32
      %lt3A_56 = arith.constant 0 : i32
      %lt3A_57 = arith.cmpi slt, %rem3A_53, %lt3A_56 : i32
      %lt3A_58 = arith.constant 0 : i32
      %lt3A_59 = arith.cmpi slt, %select_n3A_52, %lt3A_58 : i32
      %ne3A_60 = arith.xori %lt3A_57, %lt3A_59 : i1
      %and3A_61 = arith.andi %ne3A_60, %ne3A_55 : i1
      %add3A_62 = arith.addi %rem3A_53, %select_n3A_52 : i32
      %select_n3A_63 = arith.select %and3A_61, %add3A_62, %rem3A_53 : i32
      %ge3A = arith.constant 2 : i32
      %ge3A_64 = arith.cmpi sge, %scan3A_46, %ge3A : i32
      %convert_element_type3A = arith.extui %ge3A_64 : i1 to i32
      %cond3A = arith.constant 0 : i32
      %cond3A_65 = arith.cmpi ne, %convert_element_type3A, %cond3A : i32
      scf.if %cond3A_65 {
        %scan3A_77 = arith.constant 0 : i32
        %scan3A_78 = arith.constant 0 : i32
        %scan3A_79 = arith.constant 16 : i32
        %scan3A_80 = arith.addi %scan3A_78, %scan3A_79 : i32
        %scan3A_81 = arith.constant 1 : i32
        scf.for %scan3A_83 = %scan3A_78 to %scan3A_80 step %scan3A_81  : i32 {
          %dma_wait3A = arith.constant 0 : i32
          %dma_wait3A_84 = arith.constant 0 : i32
          %dma_wait3A_85 = arith.constant 0 : i32
          %dma_wait3A_86 = arith.constant 0 : i32
          %dma_wait3A_87 = arith.constant 0 : i32
          %dma_wait3A_88 = arith.constant 0 : i32
          %dma_wait3A_89 = tpu.memref_slice %arg5[%dma_wait3A, %dma_wait3A_86, %dma_wait3A_87, %dma_wait3A_88] : memref<2x32x8x128xf32, #tpu.memory_space<vmem>> -> memref<1x16x8x128xf32, #tpu.memory_space<vmem>>
          %dma_wait3A_90 = tpu.memref_squeeze %dma_wait3A_89 : memref<1x16x8x128xf32, #tpu.memory_space<vmem>> -> memref<16x8x128xf32, #tpu.memory_space<vmem>>
          %dma_wait3A_91 = arith.constant 0 : i32
          %dma_wait3A_92 = arith.constant 0 : i32
          %dma_wait3A_93 = arith.constant 0 : i32
          %dma_wait3A_94 = tpu.memref_slice %arg3[%dma_wait3A_84, %dma_wait3A_85, %dma_wait3A_91, %dma_wait3A_92, %dma_wait3A_93] : memref<2048x8x16x8x128xf32, #tpu.memory_space<hbm>> -> memref<1x1x16x8x128xf32, #tpu.memory_space<hbm>>
          %dma_wait3A_95 = tpu.memref_squeeze %dma_wait3A_94 : memref<1x1x16x8x128xf32, #tpu.memory_space<hbm>> -> memref<16x8x128xf32, #tpu.memory_space<hbm>>
          %dma_wait3A_96 = arith.constant 0 : i32
          %dma_wait3A_97 = arith.constant 0 : i32
          %dma_wait3A_98 = arith.constant 0 : i32
          %dma_wait3A_99 = tpu.memref_slice %arg3[%dma_wait3A_84, %dma_wait3A_85, %dma_wait3A_96, %dma_wait3A_97, %dma_wait3A_98] : memref<2048x8x16x8x128xf32, #tpu.memory_space<hbm>> -> memref<1x1x16x8x128xf32, #tpu.memory_space<hbm>>
          %dma_wait3A_100 = tpu.memref_squeeze %dma_wait3A_99 : memref<1x1x16x8x128xf32, #tpu.memory_space<hbm>> -> memref<16x8x128xf32, #tpu.memory_space<hbm>>
          %dma_wait3A_101 = arith.constant 0 : i32
          %dma_wait3A_102 = arith.constant 0 : i32
          %dma_wait3A_103 = arith.constant 0 : i32
          %dma_wait3A_104 = tpu.memref_slice %arg5[%dma_wait3A, %dma_wait3A_101, %dma_wait3A_102, %dma_wait3A_103] : memref<2x32x8x128xf32, #tpu.memory_space<vmem>> -> memref<1x16x8x128xf32, #tpu.memory_space<vmem>>
          %dma_wait3A_105 = tpu.memref_squeeze %dma_wait3A_104 : memref<1x16x8x128xf32, #tpu.memory_space<vmem>> -> memref<16x8x128xf32, #tpu.memory_space<vmem>>
          tpu.wait_dma2 semaphore(%arg6 : memref<!tpu.dma_semaphore, #tpu.memory_space<semaphore_mem>>) src(%dma_wait3A_105 : memref<16x8x128xf32, #tpu.memory_space<vmem>>) dst(%dma_wait3A_100 : memref<16x8x128xf32, #tpu.memory_space<hbm>>)
        }
        %scan3A_82 = arith.constant 16 : i32
      } else {
      }
      %scan3A_66 = arith.constant 0 : i32
      %scan3A_67 = arith.constant 0 : i32
      %scan3A_68 = arith.constant 32 : i32
      %scan3A_69 = arith.addi %scan3A_67, %scan3A_68 : i32
      %scan3A_70 = arith.constant 1 : i32
      scf.for %scan3A_77 = %scan3A_67 to %scan3A_69 step %scan3A_70  : i32 {
        %mul3A_78 = arith.constant 128 : i32
        %mul3A_79 = arith.muli %mul3A_78, %scan3A_77 : i32
        %add3A_80 = arith.constant 0 : i32
        %add3A_81 = arith.addi %add3A_80, %mul3A_79 : i32
        %add3A_82 = arith.addi %add3A_81, %add3A_47 : i32
        %add3A_83 = arith.constant 0 : i32
        %add3A_84 = arith.addi %add3A_82, %add3A_83 : i32
        %get3A = arith.index_cast %add3A_84 : i32 to index
        %get3A_85 = tpu.vector_load %arg4[%get3A] {strides = array<i32>} : memref<32896xf32, #tpu.memory_space<vmem>>, vector<16xf32>,
        %get3A_86 = vector.shape_cast %get3A_85 : vector<16xf32> to vector<16xf32>
        %swap3A = arith.constant 0 : i32
        %swap3A_87 = arith.index_cast %select_n3A_63 : i32 to index
        %swap3A_88 = arith.index_cast %scan3A_77 : i32 to index
        %swap3A_89 = arith.index_cast %swap3A : i32 to index
        %swap3A_90 = arith.constant 0 : index
        %swap3A_91 = tpu.vector_load %arg5[%swap3A_87, %swap3A_88, %swap3A_89, %swap3A_90] {strides = array<i32>} : memref<2x32x8x128xf32, #tpu.memory_space<vmem>>, vector<1x1x1x16xf32>,
        %swap3A_92 = vector.shape_cast %swap3A_91 : vector<1x1x1x16xf32> to vector<16xf32>
        %swap3A_93 = vector.shape_cast %get3A_86 : vector<16xf32> to vector<1x1x1x16xf32>
        tpu.vector_store %arg5[%swap3A_87, %swap3A_88, %swap3A_89, %swap3A_90], %swap3A_93 {strides = array<i32>} : memref<2x32x8x128xf32, #tpu.memory_space<vmem>>, vector<1x1x1x16xf32>,
        %mul3A_94 = arith.constant 128 : i32
        %mul3A_95 = arith.muli %mul3A_94, %scan3A_77 : i32
        %add3A_96 = arith.constant 0 : i32
        %add3A_97 = arith.addi %add3A_96, %mul3A_95 : i32
        %add3A_98 = arith.addi %add3A_97, %add3A_47 : i32
        %add3A_99 = arith.constant 16 : i32
        %add3A_100 = arith.addi %add3A_98, %add3A_99 : i32
        %get3A_101 = arith.index_cast %add3A_100 : i32 to index
        %get3A_102 = tpu.vector_load %arg4[%get3A_101] {strides = array<i32>} : memref<32896xf32, #tpu.memory_space<vmem>>, vector<16xf32>,
        %get3A_103 = vector.shape_cast %get3A_102 : vector<16xf32> to vector<16xf32>
        %swap3A_104 = arith.constant 0 : i32
        %swap3A_105 = arith.index_cast %select_n3A_63 : i32 to index
        %swap3A_106 = arith.index_cast %scan3A_77 : i32 to index
        %swap3A_107 = arith.index_cast %swap3A_104 : i32 to index
        %swap3A_108 = arith.constant 16 : index
        %swap3A_109 = tpu.vector_load %arg5[%swap3A_105, %swap3A_106, %swap3A_107, %swap3A_108] {strides = array<i32>} : memref<2x32x8x128xf32, #tpu.memory_space<vmem>>, vector<1x1x1x16xf32>,
        %swap3A_110 = vector.shape_cast %swap3A_109 : vector<1x1x1x16xf32> to vector<16xf32>
        %swap3A_111 = vector.shape_cast %get3A_103 : vector<16xf32> to vector<1x1x1x16xf32>
        tpu.vector_store %arg5[%swap3A_105, %swap3A_106, %swap3A_107, %swap3A_108], %swap3A_111 {strides = array<i32>} : memref<2x32x8x128xf32, #tpu.memory_space<vmem>>, vector<1x1x1x16xf32>,
        %mul3A_112 = arith.constant 128 : i32
        %mul3A_113 = arith.muli %mul3A_112, %scan3A_77 : i32
        %add3A_114 = arith.constant 0 : i32
        %add3A_115 = arith.addi %add3A_114, %mul3A_113 : i32
        %add3A_116 = arith.addi %add3A_115, %add3A_47 : i32
        %add3A_117 = arith.constant 32 : i32
        %add3A_118 = arith.addi %add3A_116, %add3A_117 : i32
        %get3A_119 = arith.index_cast %add3A_118 : i32 to index
        %get3A_120 = tpu.vector_load %arg4[%get3A_119] {strides = array<i32>} : memref<32896xf32, #tpu.memory_space<vmem>>, vector<16xf32>,
        %get3A_121 = vector.shape_cast %get3A_120 : vector<16xf32> to vector<16xf32>
        %swap3A_122 = arith.constant 0 : i32
        %swap3A_123 = arith.index_cast %select_n3A_63 : i32 to index
        %swap3A_124 = arith.index_cast %scan3A_77 : i32 to index
        %swap3A_125 = arith.index_cast %swap3A_122 : i32 to index
        %swap3A_126 = arith.constant 32 : index
        %swap3A_127 = tpu.vector_load %arg5[%swap3A_123, %swap3A_124, %swap3A_125, %swap3A_126] {strides = array<i32>} : memref<2x32x8x128xf32, #tpu.memory_space<vmem>>, vector<1x1x1x16xf32>,
        %swap3A_128 = vector.shape_cast %swap3A_127 : vector<1x1x1x16xf32> to vector<16xf32>
        %swap3A_129 = vector.shape_cast %get3A_121 : vector<16xf32> to vector<1x1x1x16xf32>
        tpu.vector_store %arg5[%swap3A_123, %swap3A_124, %swap3A_125, %swap3A_126], %swap3A_129 {strides = array<i32>} : memref<2x32x8x128xf32, #tpu.memory_space<vmem>>, vector<1x1x1x16xf32>,
        %mul3A_130 = arith.constant 128 : i32
        %mul3A_131 = arith.muli %mul3A_130, %scan3A_77 : i32
        %add3A_132 = arith.constant 0 : i32
        %add3A_133 = arith.addi %add3A_132, %mul3A_131 : i32
        %add3A_134 = arith.addi %add3A_133, %add3A_47 : i32
        %add3A_135 = arith.constant 48 : i32
        %add3A_136 = arith.addi %add3A_134, %add3A_135 : i32
        %get3A_137 = arith.index_cast %add3A_136 : i32 to index
        %get3A_138 = tpu.vector_load %arg4[%get3A_137] {strides = array<i32>} : memref<32896xf32, #tpu.memory_space<vmem>>, vector<16xf32>,
        %get3A_139 = vector.shape_cast %get3A_138 : vector<16xf32> to vector<16xf32>
        %swap3A_140 = arith.constant 0 : i32
        %swap3A_141 = arith.index_cast %select_n3A_63 : i32 to index
        %swap3A_142 = arith.index_cast %scan3A_77 : i32 to index
        %swap3A_143 = arith.index_cast %swap3A_140 : i32 to index
        %swap3A_144 = arith.constant 48 : index
        %swap3A_145 = tpu.vector_load %arg5[%swap3A_141, %swap3A_142, %swap3A_143, %swap3A_144] {strides = array<i32>} : memref<2x32x8x128xf32, #tpu.memory_space<vmem>>, vector<1x1x1x16xf32>,
        %swap3A_146 = vector.shape_cast %swap3A_145 : vector<1x1x1x16xf32> to vector<16xf32>
        %swap3A_147 = vector.shape_cast %get3A_139 : vector<16xf32> to vector<1x1x1x16xf32>
        tpu.vector_store %arg5[%swap3A_141, %swap3A_142, %swap3A_143, %swap3A_144], %swap3A_147 {strides = array<i32>} : memref<2x32x8x128xf32, #tpu.memory_space<vmem>>, vector<1x1x1x16xf32>,
        %mul3A_148 = arith.constant 128 : i32
        %mul3A_149 = arith.muli %mul3A_148, %scan3A_77 : i32
        %add3A_150 = arith.constant 0 : i32
        %add3A_151 = arith.addi %add3A_150, %mul3A_149 : i32
        %add3A_152 = arith.addi %add3A_151, %add3A_47 : i32
        %add3A_153 = arith.constant 64 : i32
        %add3A_154 = arith.addi %add3A_152, %add3A_153 : i32
        %get3A_155 = arith.index_cast %add3A_154 : i32 to index
        %get3A_156 = tpu.vector_load %arg4[%get3A_155] {strides = array<i32>} : memref<32896xf32, #tpu.memory_space<vmem>>, vector<16xf32>,
        %get3A_157 = vector.shape_cast %get3A_156 : vector<16xf32> to vector<16xf32>
        %swap3A_158 = arith.constant 0 : i32
        %swap3A_159 = arith.index_cast %select_n3A_63 : i32 to index
        %swap3A_160 = arith.index_cast %scan3A_77 : i32 to index
        %swap3A_161 = arith.index_cast %swap3A_158 : i32 to index
        %swap3A_162 = arith.constant 64 : index
        %swap3A_163 = tpu.vector_load %arg5[%swap3A_159, %swap3A_160, %swap3A_161, %swap3A_162] {strides = array<i32>} : memref<2x32x8x128xf32, #tpu.memory_space<vmem>>, vector<1x1x1x16xf32>,
        %swap3A_164 = vector.shape_cast %swap3A_163 : vector<1x1x1x16xf32> to vector<16xf32>
        %swap3A_165 = vector.shape_cast %get3A_157 : vector<16xf32> to vector<1x1x1x16xf32>
        tpu.vector_store %arg5[%swap3A_159, %swap3A_160, %swap3A_161, %swap3A_162], %swap3A_165 {strides = array<i32>} : memref<2x32x8x128xf32, #tpu.memory_space<vmem>>, vector<1x1x1x16xf32>,
        %mul3A_166 = arith.constant 128 : i32
        %mul3A_167 = arith.muli %mul3A_166, %scan3A_77 : i32
        %add3A_168 = arith.constant 0 : i32
        %add3A_169 = arith.addi %add3A_168, %mul3A_167 : i32
        %add3A_170 = arith.addi %add3A_169, %add3A_47 : i32
        %add3A_171 = arith.constant 80 : i32
        %add3A_172 = arith.addi %add3A_170, %add3A_171 : i32
        %get3A_173 = arith.index_cast %add3A_172 : i32 to index
        %get3A_174 = tpu.vector_load %arg4[%get3A_173] {strides = array<i32>} : memref<32896xf32, #tpu.memory_space<vmem>>, vector<16xf32>,
        %get3A_175 = vector.shape_cast %get3A_174 : vector<16xf32> to vector<16xf32>
        %swap3A_176 = arith.constant 0 : i32
        %swap3A_177 = arith.index_cast %select_n3A_63 : i32 to index
        %swap3A_178 = arith.index_cast %scan3A_77 : i32 to index
        %swap3A_179 = arith.index_cast %swap3A_176 : i32 to index
        %swap3A_180 = arith.constant 80 : index
        %swap3A_181 = tpu.vector_load %arg5[%swap3A_177, %swap3A_178, %swap3A_179, %swap3A_180] {strides = array<i32>} : memref<2x32x8x128xf32, #tpu.memory_space<vmem>>, vector<1x1x1x16xf32>,
        %swap3A_182 = vector.shape_cast %swap3A_181 : vector<1x1x1x16xf32> to vector<16xf32>
        %swap3A_183 = vector.shape_cast %get3A_175 : vector<16xf32> to vector<1x1x1x16xf32>
        tpu.vector_store %arg5[%swap3A_177, %swap3A_178, %swap3A_179, %swap3A_180], %swap3A_183 {strides = array<i32>} : memref<2x32x8x128xf32, #tpu.memory_space<vmem>>, vector<1x1x1x16xf32>,
        %mul3A_184 = arith.constant 128 : i32
        %mul3A_185 = arith.muli %mul3A_184, %scan3A_77 : i32
        %add3A_186 = arith.constant 0 : i32
        %add3A_187 = arith.addi %add3A_186, %mul3A_185 : i32
        %add3A_188 = arith.addi %add3A_187, %add3A_47 : i32
        %add3A_189 = arith.constant 96 : i32
        %add3A_190 = arith.addi %add3A_188, %add3A_189 : i32
        %get3A_191 = arith.index_cast %add3A_190 : i32 to index
        %get3A_192 = tpu.vector_load %arg4[%get3A_191] {strides = array<i32>} : memref<32896xf32, #tpu.memory_space<vmem>>, vector<16xf32>,
        %get3A_193 = vector.shape_cast %get3A_192 : vector<16xf32> to vector<16xf32>
        %swap3A_194 = arith.constant 0 : i32
        %swap3A_195 = arith.index_cast %select_n3A_63 : i32 to index
        %swap3A_196 = arith.index_cast %scan3A_77 : i32 to index
        %swap3A_197 = arith.index_cast %swap3A_194 : i32 to index
        %swap3A_198 = arith.constant 96 : index
        %swap3A_199 = tpu.vector_load %arg5[%swap3A_195, %swap3A_196, %swap3A_197, %swap3A_198] {strides = array<i32>} : memref<2x32x8x128xf32, #tpu.memory_space<vmem>>, vector<1x1x1x16xf32>,
        %swap3A_200 = vector.shape_cast %swap3A_199 : vector<1x1x1x16xf32> to vector<16xf32>
        %swap3A_201 = vector.shape_cast %get3A_193 : vector<16xf32> to vector<1x1x1x16xf32>
        tpu.vector_store %arg5[%swap3A_195, %swap3A_196, %swap3A_197, %swap3A_198], %swap3A_201 {strides = array<i32>} : memref<2x32x8x128xf32, #tpu.memory_space<vmem>>, vector<1x1x1x16xf32>,
        %mul3A_202 = arith.constant 128 : i32
        %mul3A_203 = arith.muli %mul3A_202, %scan3A_77 : i32
        %add3A_204 = arith.constant 0 : i32
        %add3A_205 = arith.addi %add3A_204, %mul3A_203 : i32
        %add3A_206 = arith.addi %add3A_205, %add3A_47 : i32
        %add3A_207 = arith.constant 112 : i32
        %add3A_208 = arith.addi %add3A_206, %add3A_207 : i32
        %get3A_209 = arith.index_cast %add3A_208 : i32 to index
        %get3A_210 = tpu.vector_load %arg4[%get3A_209] {strides = array<i32>} : memref<32896xf32, #tpu.memory_space<vmem>>, vector<16xf32>,
        %get3A_211 = vector.shape_cast %get3A_210 : vector<16xf32> to vector<16xf32>
        %swap3A_212 = arith.constant 0 : i32
        %swap3A_213 = arith.index_cast %select_n3A_63 : i32 to index
        %swap3A_214 = arith.index_cast %scan3A_77 : i32 to index
        %swap3A_215 = arith.index_cast %swap3A_212 : i32 to index
        %swap3A_216 = arith.constant 112 : index
        %swap3A_217 = tpu.vector_load %arg5[%swap3A_213, %swap3A_214, %swap3A_215, %swap3A_216] {strides = array<i32>} : memref<2x32x8x128xf32, #tpu.memory_space<vmem>>, vector<1x1x1x16xf32>,
        %swap3A_218 = vector.shape_cast %swap3A_217 : vector<1x1x1x16xf32> to vector<16xf32>
        %swap3A_219 = vector.shape_cast %get3A_211 : vector<16xf32> to vector<1x1x1x16xf32>
        tpu.vector_store %arg5[%swap3A_213, %swap3A_214, %swap3A_215, %swap3A_216], %swap3A_219 {strides = array<i32>} : memref<2x32x8x128xf32, #tpu.memory_space<vmem>>, vector<1x1x1x16xf32>,
        %mul3A_220 = arith.constant 128 : i32
        %mul3A_221 = arith.muli %mul3A_220, %scan3A_77 : i32
        %add3A_222 = arith.constant 4096 : i32
        %add3A_223 = arith.addi %add3A_222, %mul3A_221 : i32
        %add3A_224 = arith.addi %add3A_223, %add3A_47 : i32
        %add3A_225 = arith.constant 0 : i32
        %add3A_226 = arith.addi %add3A_224, %add3A_225 : i32
        %get3A_227 = arith.index_cast %add3A_226 : i32 to index
        %get3A_228 = tpu.vector_load %arg4[%get3A_227] {strides = array<i32>} : memref<32896xf32, #tpu.memory_space<vmem>>, vector<16xf32>,
        %get3A_229 = vector.shape_cast %get3A_228 : vector<16xf32> to vector<16xf32>
        %swap3A_230 = arith.constant 1 : i32
        %swap3A_231 = arith.index_cast %select_n3A_63 : i32 to index
        %swap3A_232 = arith.index_cast %scan3A_77 : i32 to index
        %swap3A_233 = arith.index_cast %swap3A_230 : i32 to index
        %swap3A_234 = arith.constant 0 : index
        %swap3A_235 = tpu.vector_load %arg5[%swap3A_231, %swap3A_232, %swap3A_233, %swap3A_234] {strides = array<i32>} : memref<2x32x8x128xf32, #tpu.memory_space<vmem>>, vector<1x1x1x16xf32>,
        %swap3A_236 = vector.shape_cast %swap3A_235 : vector<1x1x1x16xf32> to vector<16xf32>
        %swap3A_237 = vector.shape_cast %get3A_229 : vector<16xf32> to vector<1x1x1x16xf32>
        tpu.vector_store %arg5[%swap3A_231, %swap3A_232, %swap3A_233, %swap3A_234], %swap3A_237 {strides = array<i32>} : memref<2x32x8x128xf32, #tpu.memory_space<vmem>>, vector<1x1x1x16xf32>,
        %mul3A_238 = arith.constant 128 : i32
        %mul3A_239 = arith.muli %mul3A_238, %scan3A_77 : i32
        %add3A_240 = arith.constant 4096 : i32
        %add3A_241 = arith.addi %add3A_240, %mul3A_239 : i32
        %add3A_242 = arith.addi %add3A_241, %add3A_47 : i32
        %add3A_243 = arith.constant 16 : i32
        %add3A_244 = arith.addi %add3A_242, %add3A_243 : i32
        %get3A_245 = arith.index_cast %add3A_244 : i32 to index
        %get3A_246 = tpu.vector_load %arg4[%get3A_245] {strides = array<i32>} : memref<32896xf32, #tpu.memory_space<vmem>>, vector<16xf32>,
        %get3A_247 = vector.shape_cast %get3A_246 : vector<16xf32> to vector<16xf32>
        %swap3A_248 = arith.constant 1 : i32
        %swap3A_249 = arith.index_cast %select_n3A_63 : i32 to index
        %swap3A_250 = arith.index_cast %scan3A_77 : i32 to index
        %swap3A_251 = arith.index_cast %swap3A_248 : i32 to index
        %swap3A_252 = arith.constant 16 : index
        %swap3A_253 = tpu.vector_load %arg5[%swap3A_249, %swap3A_250, %swap3A_251, %swap3A_252] {strides = array<i32>} : memref<2x32x8x128xf32, #tpu.memory_space<vmem>>, vector<1x1x1x16xf32>,
        %swap3A_254 = vector.shape_cast %swap3A_253 : vector<1x1x1x16xf32> to vector<16xf32>
        %swap3A_255 = vector.shape_cast %get3A_247 : vector<16xf32> to vector<1x1x1x16xf32>
        tpu.vector_store %arg5[%swap3A_249, %swap3A_250, %swap3A_251, %swap3A_252], %swap3A_255 {strides = array<i32>} : memref<2x32x8x128xf32, #tpu.memory_space<vmem>>, vector<1x1x1x16xf32>,
        %mul3A_256 = arith.constant 128 : i32
        %mul3A_257 = arith.muli %mul3A_256, %scan3A_77 : i32
        %add3A_258 = arith.constant 4096 : i32
        %add3A_259 = arith.addi %add3A_258, %mul3A_257 : i32
        %add3A_260 = arith.addi %add3A_259, %add3A_47 : i32
        %add3A_261 = arith.constant 32 : i32
        %add3A_262 = arith.addi %add3A_260, %add3A_261 : i32
        %get3A_263 = arith.index_cast %add3A_262 : i32 to index
        %get3A_264 = tpu.vector_load %arg4[%get3A_263] {strides = array<i32>} : memref<32896xf32, #tpu.memory_space<vmem>>, vector<16xf32>,
        %get3A_265 = vector.shape_cast %get3A_264 : vector<16xf32> to vector<16xf32>
        %swap3A_266 = arith.constant 1 : i32
        %swap3A_267 = arith.index_cast %select_n3A_63 : i32 to index
        %swap3A_268 = arith.index_cast %scan3A_77 : i32 to index
        %swap3A_269 = arith.index_cast %swap3A_266 : i32 to index
        %swap3A_270 = arith.constant 32 : index
        %swap3A_271 = tpu.vector_load %arg5[%swap3A_267, %swap3A_268, %swap3A_269, %swap3A_270] {strides = array<i32>} : memref<2x32x8x128xf32, #tpu.memory_space<vmem>>, vector<1x1x1x16xf32>,
        %swap3A_272 = vector.shape_cast %swap3A_271 : vector<1x1x1x16xf32> to vector<16xf32>
        %swap3A_273 = vector.shape_cast %get3A_265 : vector<16xf32> to vector<1x1x1x16xf32>
        tpu.vector_store %arg5[%swap3A_267, %swap3A_268, %swap3A_269, %swap3A_270], %swap3A_273 {strides = array<i32>} : memref<2x32x8x128xf32, #tpu.memory_space<vmem>>, vector<1x1x1x16xf32>,
        %mul3A_274 = arith.constant 128 : i32
        %mul3A_275 = arith.muli %mul3A_274, %scan3A_77 : i32
        %add3A_276 = arith.constant 4096 : i32
        %add3A_277 = arith.addi %add3A_276, %mul3A_275 : i32
        %add3A_278 = arith.addi %add3A_277, %add3A_47 : i32
        %add3A_279 = arith.constant 48 : i32
        %add3A_280 = arith.addi %add3A_278, %add3A_279 : i32
        %get3A_281 = arith.index_cast %add3A_280 : i32 to index
        %get3A_282 = tpu.vector_load %arg4[%get3A_281] {strides = array<i32>} : memref<32896xf32, #tpu.memory_space<vmem>>, vector<16xf32>,
        %get3A_283 = vector.shape_cast %get3A_282 : vector<16xf32> to vector<16xf32>
        %swap3A_284 = arith.constant 1 : i32
        %swap3A_285 = arith.index_cast %select_n3A_63 : i32 to index
        %swap3A_286 = arith.index_cast %scan3A_77 : i32 to index
        %swap3A_287 = arith.index_cast %swap3A_284 : i32 to index
        %swap3A_288 = arith.constant 48 : index
        %swap3A_289 = tpu.vector_load %arg5[%swap3A_285, %swap3A_286, %swap3A_287, %swap3A_288] {strides = array<i32>} : memref<2x32x8x128xf32, #tpu.memory_space<vmem>>, vector<1x1x1x16xf32>,
        %swap3A_290 = vector.shape_cast %swap3A_289 : vector<1x1x1x16xf32> to vector<16xf32>
        %swap3A_291 = vector.shape_cast %get3A_283 : vector<16xf32> to vector<1x1x1x16xf32>
        tpu.vector_store %arg5[%swap3A_285, %swap3A_286, %swap3A_287, %swap3A_288], %swap3A_291 {strides = array<i32>} : memref<2x32x8x128xf32, #tpu.memory_space<vmem>>, vector<1x1x1x16xf32>,
        %mul3A_292 = arith.constant 128 : i32
        %mul3A_293 = arith.muli %mul3A_292, %scan3A_77 : i32
        %add3A_294 = arith.constant 4096 : i32
        %add3A_295 = arith.addi %add3A_294, %mul3A_293 : i32
        %add3A_296 = arith.addi %add3A_295, %add3A_47 : i32
        %add3A_297 = arith.constant 64 : i32
        %add3A_298 = arith.addi %add3A_296, %add3A_297 : i32
        %get3A_299 = arith.index_cast %add3A_298 : i32 to index
        %get3A_300 = tpu.vector_load %arg4[%get3A_299] {strides = array<i32>} : memref<32896xf32, #tpu.memory_space<vmem>>, vector<16xf32>,
        %get3A_301 = vector.shape_cast %get3A_300 : vector<16xf32> to vector<16xf32>
        %swap3A_302 = arith.constant 1 : i32
        %swap3A_303 = arith.index_cast %select_n3A_63 : i32 to index
        %swap3A_304 = arith.index_cast %scan3A_77 : i32 to index
        %swap3A_305 = arith.index_cast %swap3A_302 : i32 to index
        %swap3A_306 = arith.constant 64 : index
        %swap3A_307 = tpu.vector_load %arg5[%swap3A_303, %swap3A_304, %swap3A_305, %swap3A_306] {strides = array<i32>} : memref<2x32x8x128xf32, #tpu.memory_space<vmem>>, vector<1x1x1x16xf32>,
        %swap3A_308 = vector.shape_cast %swap3A_307 : vector<1x1x1x16xf32> to vector<16xf32>
        %swap3A_309 = vector.shape_cast %get3A_301 : vector<16xf32> to vector<1x1x1x16xf32>
        tpu.vector_store %arg5[%swap3A_303, %swap3A_304, %swap3A_305, %swap3A_306], %swap3A_309 {strides = array<i32>} : memref<2x32x8x128xf32, #tpu.memory_space<vmem>>, vector<1x1x1x16xf32>,
        %mul3A_310 = arith.constant 128 : i32
        %mul3A_311 = arith.muli %mul3A_310, %scan3A_77 : i32
        %add3A_312 = arith.constant 4096 : i32
        %add3A_313 = arith.addi %add3A_312, %mul3A_311 : i32
        %add3A_314 = arith.addi %add3A_313, %add3A_47 : i32
        %add3A_315 = arith.constant 80 : i32
        %add3A_316 = arith.addi %add3A_314, %add3A_315 : i32
        %get3A_317 = arith.index_cast %add3A_316 : i32 to index
        %get3A_318 = tpu.vector_load %arg4[%get3A_317] {strides = array<i32>} : memref<32896xf32, #tpu.memory_space<vmem>>, vector<16xf32>,
        %get3A_319 = vector.shape_cast %get3A_318 : vector<16xf32> to vector<16xf32>
        %swap3A_320 = arith.constant 1 : i32
        %swap3A_321 = arith.index_cast %select_n3A_63 : i32 to index
        %swap3A_322 = arith.index_cast %scan3A_77 : i32 to index
        %swap3A_323 = arith.index_cast %swap3A_320 : i32 to index
        %swap3A_324 = arith.constant 80 : index
        %swap3A_325 = tpu.vector_load %arg5[%swap3A_321, %swap3A_322, %swap3A_323, %swap3A_324] {strides = array<i32>} : memref<2x32x8x128xf32, #tpu.memory_space<vmem>>, vector<1x1x1x16xf32>,
        %swap3A_326 = vector.shape_cast %swap3A_325 : vector<1x1x1x16xf32> to vector<16xf32>
        %swap3A_327 = vector.shape_cast %get3A_319 : vector<16xf32> to vector<1x1x1x16xf32>
        tpu.vector_store %arg5[%swap3A_321, %swap3A_322, %swap3A_323, %swap3A_324], %swap3A_327 {strides = array<i32>} : memref<2x32x8x128xf32, #tpu.memory_space<vmem>>, vector<1x1x1x16xf32>,
        %mul3A_328 = arith.constant 128 : i32
        %mul3A_329 = arith.muli %mul3A_328, %scan3A_77 : i32
        %add3A_330 = arith.constant 4096 : i32
        %add3A_331 = arith.addi %add3A_330, %mul3A_329 : i32
        %add3A_332 = arith.addi %add3A_331, %add3A_47 : i32
        %add3A_333 = arith.constant 96 : i32
        %add3A_334 = arith.addi %add3A_332, %add3A_333 : i32
        %get3A_335 = arith.index_cast %add3A_334 : i32 to index
        %get3A_336 = tpu.vector_load %arg4[%get3A_335] {strides = array<i32>} : memref<32896xf32, #tpu.memory_space<vmem>>, vector<16xf32>,
        %get3A_337 = vector.shape_cast %get3A_336 : vector<16xf32> to vector<16xf32>
        %swap3A_338 = arith.constant 1 : i32
        %swap3A_339 = arith.index_cast %select_n3A_63 : i32 to index
        %swap3A_340 = arith.index_cast %scan3A_77 : i32 to index
        %swap3A_341 = arith.index_cast %swap3A_338 : i32 to index
        %swap3A_342 = arith.constant 96 : index
        %swap3A_343 = tpu.vector_load %arg5[%swap3A_339, %swap3A_340, %swap3A_341, %swap3A_342] {strides = array<i32>} : memref<2x32x8x128xf32, #tpu.memory_space<vmem>>, vector<1x1x1x16xf32>,
        %swap3A_344 = vector.shape_cast %swap3A_343 : vector<1x1x1x16xf32> to vector<16xf32>
        %swap3A_345 = vector.shape_cast %get3A_337 : vector<16xf32> to vector<1x1x1x16xf32>
        tpu.vector_store %arg5[%swap3A_339, %swap3A_340, %swap3A_341, %swap3A_342], %swap3A_345 {strides = array<i32>} : memref<2x32x8x128xf32, #tpu.memory_space<vmem>>, vector<1x1x1x16xf32>,
        %mul3A_346 = arith.constant 128 : i32
        %mul3A_347 = arith.muli %mul3A_346, %scan3A_77 : i32
        %add3A_348 = arith.constant 4096 : i32
        %add3A_349 = arith.addi %add3A_348, %mul3A_347 : i32
        %add3A_350 = arith.addi %add3A_349, %add3A_47 : i32
        %add3A_351 = arith.constant 112 : i32
        %add3A_352 = arith.addi %add3A_350, %add3A_351 : i32
        %get3A_353 = arith.index_cast %add3A_352 : i32 to index
        %get3A_354 = tpu.vector_load %arg4[%get3A_353] {strides = array<i32>} : memref<32896xf32, #tpu.memory_space<vmem>>, vector<16xf32>,
        %get3A_355 = vector.shape_cast %get3A_354 : vector<16xf32> to vector<16xf32>
        %swap3A_356 = arith.constant 1 : i32
        %swap3A_357 = arith.index_cast %select_n3A_63 : i32 to index
        %swap3A_358 = arith.index_cast %scan3A_77 : i32 to index
        %swap3A_359 = arith.index_cast %swap3A_356 : i32 to index
        %swap3A_360 = arith.constant 112 : index
        %swap3A_361 = tpu.vector_load %arg5[%swap3A_357, %swap3A_358, %swap3A_359, %swap3A_360] {strides = array<i32>} : memref<2x32x8x128xf32, #tpu.memory_space<vmem>>, vector<1x1x1x16xf32>,
        %swap3A_362 = vector.shape_cast %swap3A_361 : vector<1x1x1x16xf32> to vector<16xf32>
        %swap3A_363 = vector.shape_cast %get3A_355 : vector<16xf32> to vector<1x1x1x16xf32>
        tpu.vector_store %arg5[%swap3A_357, %swap3A_358, %swap3A_359, %swap3A_360], %swap3A_363 {strides = array<i32>} : memref<2x32x8x128xf32, #tpu.memory_space<vmem>>, vector<1x1x1x16xf32>,
        %mul3A_364 = arith.constant 128 : i32
        %mul3A_365 = arith.muli %mul3A_364, %scan3A_77 : i32
        %add3A_366 = arith.constant 8192 : i32
        %add3A_367 = arith.addi %add3A_366, %mul3A_365 : i32
        %add3A_368 = arith.addi %add3A_367, %add3A_47 : i32
        %add3A_369 = arith.constant 0 : i32
        %add3A_370 = arith.addi %add3A_368, %add3A_369 : i32
        %get3A_371 = arith.index_cast %add3A_370 : i32 to index
        %get3A_372 = tpu.vector_load %arg4[%get3A_371] {strides = array<i32>} : memref<32896xf32, #tpu.memory_space<vmem>>, vector<16xf32>,
        %get3A_373 = vector.shape_cast %get3A_372 : vector<16xf32> to vector<16xf32>
        %swap3A_374 = arith.constant 2 : i32
        %swap3A_375 = arith.index_cast %select_n3A_63 : i32 to index
        %swap3A_376 = arith.index_cast %scan3A_77 : i32 to index
        %swap3A_377 = arith.index_cast %swap3A_374 : i32 to index
        %swap3A_378 = arith.constant 0 : index
        %swap3A_379 = tpu.vector_load %arg5[%swap3A_375, %swap3A_376, %swap3A_377, %swap3A_378] {strides = array<i32>} : memref<2x32x8x128xf32, #tpu.memory_space<vmem>>, vector<1x1x1x16xf32>,
        %swap3A_380 = vector.shape_cast %swap3A_379 : vector<1x1x1x16xf32> to vector<16xf32>
        %swap3A_381 = vector.shape_cast %get3A_373 : vector<16xf32> to vector<1x1x1x16xf32>
        tpu.vector_store %arg5[%swap3A_375, %swap3A_376, %swap3A_377, %swap3A_378], %swap3A_381 {strides = array<i32>} : memref<2x32x8x128xf32, #tpu.memory_space<vmem>>, vector<1x1x1x16xf32>,
        %mul3A_382 = arith.constant 128 : i32
        %mul3A_383 = arith.muli %mul3A_382, %scan3A_77 : i32
        %add3A_384 = arith.constant 8192 : i32
        %add3A_385 = arith.addi %add3A_384, %mul3A_383 : i32
        %add3A_386 = arith.addi %add3A_385, %add3A_47 : i32
        %add3A_387 = arith.constant 16 : i32
        %add3A_388 = arith.addi %add3A_386, %add3A_387 : i32
        %get3A_389 = arith.index_cast %add3A_388 : i32 to index
        %get3A_390 = tpu.vector_load %arg4[%get3A_389] {strides = array<i32>} : memref<32896xf32, #tpu.memory_space<vmem>>, vector<16xf32>,
        %get3A_391 = vector.shape_cast %get3A_390 : vector<16xf32> to vector<16xf32>
        %swap3A_392 = arith.constant 2 : i32
        %swap3A_393 = arith.index_cast %select_n3A_63 : i32 to index
        %swap3A_394 = arith.index_cast %scan3A_77 : i32 to index
        %swap3A_395 = arith.index_cast %swap3A_392 : i32 to index
        %swap3A_396 = arith.constant 16 : index
        %swap3A_397 = tpu.vector_load %arg5[%swap3A_393, %swap3A_394, %swap3A_395, %swap3A_396] {strides = array<i32>} : memref<2x32x8x128xf32, #tpu.memory_space<vmem>>, vector<1x1x1x16xf32>,
        %swap3A_398 = vector.shape_cast %swap3A_397 : vector<1x1x1x16xf32> to vector<16xf32>
        %swap3A_399 = vector.shape_cast %get3A_391 : vector<16xf32> to vector<1x1x1x16xf32>
        tpu.vector_store %arg5[%swap3A_393, %swap3A_394, %swap3A_395, %swap3A_396], %swap3A_399 {strides = array<i32>} : memref<2x32x8x128xf32, #tpu.memory_space<vmem>>, vector<1x1x1x16xf32>,
        %mul3A_400 = arith.constant 128 : i32
        %mul3A_401 = arith.muli %mul3A_400, %scan3A_77 : i32
        %add3A_402 = arith.constant 8192 : i32
        %add3A_403 = arith.addi %add3A_402, %mul3A_401 : i32
        %add3A_404 = arith.addi %add3A_403, %add3A_47 : i32
        %add3A_405 = arith.constant 32 : i32
        %add3A_406 = arith.addi %add3A_404, %add3A_405 : i32
        %get3A_407 = arith.index_cast %add3A_406 : i32 to index
        %get3A_408 = tpu.vector_load %arg4[%get3A_407] {strides = array<i32>} : memref<32896xf32, #tpu.memory_space<vmem>>, vector<16xf32>,
        %get3A_409 = vector.shape_cast %get3A_408 : vector<16xf32> to vector<16xf32>
        %swap3A_410 = arith.constant 2 : i32
        %swap3A_411 = arith.index_cast %select_n3A_63 : i32 to index
        %swap3A_412 = arith.index_cast %scan3A_77 : i32 to index
        %swap3A_413 = arith.index_cast %swap3A_410 : i32 to index
        %swap3A_414 = arith.constant 32 : index
        %swap3A_415 = tpu.vector_load %arg5[%swap3A_411, %swap3A_412, %swap3A_413, %swap3A_414] {strides = array<i32>} : memref<2x32x8x128xf32, #tpu.memory_space<vmem>>, vector<1x1x1x16xf32>,
        %swap3A_416 = vector.shape_cast %swap3A_415 : vector<1x1x1x16xf32> to vector<16xf32>
        %swap3A_417 = vector.shape_cast %get3A_409 : vector<16xf32> to vector<1x1x1x16xf32>
        tpu.vector_store %arg5[%swap3A_411, %swap3A_412, %swap3A_413, %swap3A_414], %swap3A_417 {strides = array<i32>} : memref<2x32x8x128xf32, #tpu.memory_space<vmem>>, vector<1x1x1x16xf32>,
        %mul3A_418 = arith.constant 128 : i32
        %mul3A_419 = arith.muli %mul3A_418, %scan3A_77 : i32
        %add3A_420 = arith.constant 8192 : i32
        %add3A_421 = arith.addi %add3A_420, %mul3A_419 : i32
        %add3A_422 = arith.addi %add3A_421, %add3A_47 : i32
        %add3A_423 = arith.constant 48 : i32
        %add3A_424 = arith.addi %add3A_422, %add3A_423 : i32
        %get3A_425 = arith.index_cast %add3A_424 : i32 to index
        %get3A_426 = tpu.vector_load %arg4[%get3A_425] {strides = array<i32>} : memref<32896xf32, #tpu.memory_space<vmem>>, vector<16xf32>,
        %get3A_427 = vector.shape_cast %get3A_426 : vector<16xf32> to vector<16xf32>
        %swap3A_428 = arith.constant 2 : i32
        %swap3A_429 = arith.index_cast %select_n3A_63 : i32 to index
        %swap3A_430 = arith.index_cast %scan3A_77 : i32 to index
        %swap3A_431 = arith.index_cast %swap3A_428 : i32 to index
        %swap3A_432 = arith.constant 48 : index
        %swap3A_433 = tpu.vector_load %arg5[%swap3A_429, %swap3A_430, %swap3A_431, %swap3A_432] {strides = array<i32>} : memref<2x32x8x128xf32, #tpu.memory_space<vmem>>, vector<1x1x1x16xf32>,
        %swap3A_434 = vector.shape_cast %swap3A_433 : vector<1x1x1x16xf32> to vector<16xf32>
        %swap3A_435 = vector.shape_cast %get3A_427 : vector<16xf32> to vector<1x1x1x16xf32>
        tpu.vector_store %arg5[%swap3A_429, %swap3A_430, %swap3A_431, %swap3A_432], %swap3A_435 {strides = array<i32>} : memref<2x32x8x128xf32, #tpu.memory_space<vmem>>, vector<1x1x1x16xf32>,
        %mul3A_436 = arith.constant 128 : i32
        %mul3A_437 = arith.muli %mul3A_436, %scan3A_77 : i32
        %add3A_438 = arith.constant 8192 : i32
        %add3A_439 = arith.addi %add3A_438, %mul3A_437 : i32
        %add3A_440 = arith.addi %add3A_439, %add3A_47 : i32
        %add3A_441 = arith.constant 64 : i32
        %add3A_442 = arith.addi %add3A_440, %add3A_441 : i32
        %get3A_443 = arith.index_cast %add3A_442 : i32 to index
        %get3A_444 = tpu.vector_load %arg4[%get3A_443] {strides = array<i32>} : memref<32896xf32, #tpu.memory_space<vmem>>, vector<16xf32>,
        %get3A_445 = vector.shape_cast %get3A_444 : vector<16xf32> to vector<16xf32>
        %swap3A_446 = arith.constant 2 : i32
        %swap3A_447 = arith.index_cast %select_n3A_63 : i32 to index
        %swap3A_448 = arith.index_cast %scan3A_77 : i32 to index
        %swap3A_449 = arith.index_cast %swap3A_446 : i32 to index
        %swap3A_450 = arith.constant 64 : index
        %swap3A_451 = tpu.vector_load %arg5[%swap3A_447, %swap3A_448, %swap3A_449, %swap3A_450] {strides = array<i32>} : memref<2x32x8x128xf32, #tpu.memory_space<vmem>>, vector<1x1x1x16xf32>,
        %swap3A_452 = vector.shape_cast %swap3A_451 : vector<1x1x1x16xf32> to vector<16xf32>
        %swap3A_453 = vector.shape_cast %get3A_445 : vector<16xf32> to vector<1x1x1x16xf32>
        tpu.vector_store %arg5[%swap3A_447, %swap3A_448, %swap3A_449, %swap3A_450], %swap3A_453 {strides = array<i32>} : memref<2x32x8x128xf32, #tpu.memory_space<vmem>>, vector<1x1x1x16xf32>,
        %mul3A_454 = arith.constant 128 : i32
        %mul3A_455 = arith.muli %mul3A_454, %scan3A_77 : i32
        %add3A_456 = arith.constant 8192 : i32
        %add3A_457 = arith.addi %add3A_456, %mul3A_455 : i32
        %add3A_458 = arith.addi %add3A_457, %add3A_47 : i32
        %add3A_459 = arith.constant 80 : i32
        %add3A_460 = arith.addi %add3A_458, %add3A_459 : i32
        %get3A_461 = arith.index_cast %add3A_460 : i32 to index
        %get3A_462 = tpu.vector_load %arg4[%get3A_461] {strides = array<i32>} : memref<32896xf32, #tpu.memory_space<vmem>>, vector<16xf32>,
        %get3A_463 = vector.shape_cast %get3A_462 : vector<16xf32> to vector<16xf32>
        %swap3A_464 = arith.constant 2 : i32
        %swap3A_465 = arith.index_cast %select_n3A_63 : i32 to index
        %swap3A_466 = arith.index_cast %scan3A_77 : i32 to index
        %swap3A_467 = arith.index_cast %swap3A_464 : i32 to index
        %swap3A_468 = arith.constant 80 : index
        %swap3A_469 = tpu.vector_load %arg5[%swap3A_465, %swap3A_466, %swap3A_467, %swap3A_468] {strides = array<i32>} : memref<2x32x8x128xf32, #tpu.memory_space<vmem>>, vector<1x1x1x16xf32>,
        %swap3A_470 = vector.shape_cast %swap3A_469 : vector<1x1x1x16xf32> to vector<16xf32>
        %swap3A_471 = vector.shape_cast %get3A_463 : vector<16xf32> to vector<1x1x1x16xf32>
        tpu.vector_store %arg5[%swap3A_465, %swap3A_466, %swap3A_467, %swap3A_468], %swap3A_471 {strides = array<i32>} : memref<2x32x8x128xf32, #tpu.memory_space<vmem>>, vector<1x1x1x16xf32>,
        %mul3A_472 = arith.constant 128 : i32
        %mul3A_473 = arith.muli %mul3A_472, %scan3A_77 : i32
        %add3A_474 = arith.constant 8192 : i32
        %add3A_475 = arith.addi %add3A_474, %mul3A_473 : i32
        %add3A_476 = arith.addi %add3A_475, %add3A_47 : i32
        %add3A_477 = arith.constant 96 : i32
        %add3A_478 = arith.addi %add3A_476, %add3A_477 : i32
        %get3A_479 = arith.index_cast %add3A_478 : i32 to index
        %get3A_480 = tpu.vector_load %arg4[%get3A_479] {strides = array<i32>} : memref<32896xf32, #tpu.memory_space<vmem>>, vector<16xf32>,
        %get3A_481 = vector.shape_cast %get3A_480 : vector<16xf32> to vector<16xf32>
        %swap3A_482 = arith.constant 2 : i32
        %swap3A_483 = arith.index_cast %select_n3A_63 : i32 to index
        %swap3A_484 = arith.index_cast %scan3A_77 : i32 to index
        %swap3A_485 = arith.index_cast %swap3A_482 : i32 to index
        %swap3A_486 = arith.constant 96 : index
        %swap3A_487 = tpu.vector_load %arg5[%swap3A_483, %swap3A_484, %swap3A_485, %swap3A_486] {strides = array<i32>} : memref<2x32x8x128xf32, #tpu.memory_space<vmem>>, vector<1x1x1x16xf32>,
        %swap3A_488 = vector.shape_cast %swap3A_487 : vector<1x1x1x16xf32> to vector<16xf32>
        %swap3A_489 = vector.shape_cast %get3A_481 : vector<16xf32> to vector<1x1x1x16xf32>
        tpu.vector_store %arg5[%swap3A_483, %swap3A_484, %swap3A_485, %swap3A_486], %swap3A_489 {strides = array<i32>} : memref<2x32x8x128xf32, #tpu.memory_space<vmem>>, vector<1x1x1x16xf32>,
        %mul3A_490 = arith.constant 128 : i32
        %mul3A_491 = arith.muli %mul3A_490, %scan3A_77 : i32
        %add3A_492 = arith.constant 8192 : i32
        %add3A_493 = arith.addi %add3A_492, %mul3A_491 : i32
        %add3A_494 = arith.addi %add3A_493, %add3A_47 : i32
        %add3A_495 = arith.constant 112 : i32
        %add3A_496 = arith.addi %add3A_494, %add3A_495 : i32
        %get3A_497 = arith.index_cast %add3A_496 : i32 to index
        %get3A_498 = tpu.vector_load %arg4[%get3A_497] {strides = array<i32>} : memref<32896xf32, #tpu.memory_space<vmem>>, vector<16xf32>,
        %get3A_499 = vector.shape_cast %get3A_498 : vector<16xf32> to vector<16xf32>
        %swap3A_500 = arith.constant 2 : i32
        %swap3A_501 = arith.index_cast %select_n3A_63 : i32 to index
        %swap3A_502 = arith.index_cast %scan3A_77 : i32 to index
        %swap3A_503 = arith.index_cast %swap3A_500 : i32 to index
        %swap3A_504 = arith.constant 112 : index
        %swap3A_505 = tpu.vector_load %arg5[%swap3A_501, %swap3A_502, %swap3A_503, %swap3A_504] {strides = array<i32>} : memref<2x32x8x128xf32, #tpu.memory_space<vmem>>, vector<1x1x1x16xf32>,
        %swap3A_506 = vector.shape_cast %swap3A_505 : vector<1x1x1x16xf32> to vector<16xf32>
        %swap3A_507 = vector.shape_cast %get3A_499 : vector<16xf32> to vector<1x1x1x16xf32>
        tpu.vector_store %arg5[%swap3A_501, %swap3A_502, %swap3A_503, %swap3A_504], %swap3A_507 {strides = array<i32>} : memref<2x32x8x128xf32, #tpu.memory_space<vmem>>, vector<1x1x1x16xf32>,
        %mul3A_508 = arith.constant 128 : i32
        %mul3A_509 = arith.muli %mul3A_508, %scan3A_77 : i32
        %add3A_510 = arith.constant 12288 : i32
        %add3A_511 = arith.addi %add3A_510, %mul3A_509 : i32
        %add3A_512 = arith.addi %add3A_511, %add3A_47 : i32
        %add3A_513 = arith.constant 0 : i32
        %add3A_514 = arith.addi %add3A_512, %add3A_513 : i32
        %get3A_515 = arith.index_cast %add3A_514 : i32 to index
        %get3A_516 = tpu.vector_load %arg4[%get3A_515] {strides = array<i32>} : memref<32896xf32, #tpu.memory_space<vmem>>, vector<16xf32>,
        %get3A_517 = vector.shape_cast %get3A_516 : vector<16xf32> to vector<16xf32>
        %swap3A_518 = arith.constant 3 : i32
        %swap3A_519 = arith.index_cast %select_n3A_63 : i32 to index
        %swap3A_520 = arith.index_cast %scan3A_77 : i32 to index
        %swap3A_521 = arith.index_cast %swap3A_518 : i32 to index
        %swap3A_522 = arith.constant 0 : index
        %swap3A_523 = tpu.vector_load %arg5[%swap3A_519, %swap3A_520, %swap3A_521, %swap3A_522] {strides = array<i32>} : memref<2x32x8x128xf32, #tpu.memory_space<vmem>>, vector<1x1x1x16xf32>,
        %swap3A_524 = vector.shape_cast %swap3A_523 : vector<1x1x1x16xf32> to vector<16xf32>
        %swap3A_525 = vector.shape_cast %get3A_517 : vector<16xf32> to vector<1x1x1x16xf32>
        tpu.vector_store %arg5[%swap3A_519, %swap3A_520, %swap3A_521, %swap3A_522], %swap3A_525 {strides = array<i32>} : memref<2x32x8x128xf32, #tpu.memory_space<vmem>>, vector<1x1x1x16xf32>,
        %mul3A_526 = arith.constant 128 : i32
        %mul3A_527 = arith.muli %mul3A_526, %scan3A_77 : i32
        %add3A_528 = arith.constant 12288 : i32
        %add3A_529 = arith.addi %add3A_528, %mul3A_527 : i32
        %add3A_530 = arith.addi %add3A_529, %add3A_47 : i32
        %add3A_531 = arith.constant 16 : i32
        %add3A_532 = arith.addi %add3A_530, %add3A_531 : i32
        %get3A_533 = arith.index_cast %add3A_532 : i32 to index
        %get3A_534 = tpu.vector_load %arg4[%get3A_533] {strides = array<i32>} : memref<32896xf32, #tpu.memory_space<vmem>>, vector<16xf32>,
        %get3A_535 = vector.shape_cast %get3A_534 : vector<16xf32> to vector<16xf32>
        %swap3A_536 = arith.constant 3 : i32
        %swap3A_537 = arith.index_cast %select_n3A_63 : i32 to index
        %swap3A_538 = arith.index_cast %scan3A_77 : i32 to index
        %swap3A_539 = arith.index_cast %swap3A_536 : i32 to index
        %swap3A_540 = arith.constant 16 : index
        %swap3A_541 = tpu.vector_load %arg5[%swap3A_537, %swap3A_538, %swap3A_539, %swap3A_540] {strides = array<i32>} : memref<2x32x8x128xf32, #tpu.memory_space<vmem>>, vector<1x1x1x16xf32>,
        %swap3A_542 = vector.shape_cast %swap3A_541 : vector<1x1x1x16xf32> to vector<16xf32>
        %swap3A_543 = vector.shape_cast %get3A_535 : vector<16xf32> to vector<1x1x1x16xf32>
        tpu.vector_store %arg5[%swap3A_537, %swap3A_538, %swap3A_539, %swap3A_540], %swap3A_543 {strides = array<i32>} : memref<2x32x8x128xf32, #tpu.memory_space<vmem>>, vector<1x1x1x16xf32>,
        %mul3A_544 = arith.constant 128 : i32
        %mul3A_545 = arith.muli %mul3A_544, %scan3A_77 : i32
        %add3A_546 = arith.constant 12288 : i32
        %add3A_547 = arith.addi %add3A_546, %mul3A_545 : i32
        %add3A_548 = arith.addi %add3A_547, %add3A_47 : i32
        %add3A_549 = arith.constant 32 : i32
        %add3A_550 = arith.addi %add3A_548, %add3A_549 : i32
        %get3A_551 = arith.index_cast %add3A_550 : i32 to index
        %get3A_552 = tpu.vector_load %arg4[%get3A_551] {strides = array<i32>} : memref<32896xf32, #tpu.memory_space<vmem>>, vector<16xf32>,
        %get3A_553 = vector.shape_cast %get3A_552 : vector<16xf32> to vector<16xf32>
        %swap3A_554 = arith.constant 3 : i32
        %swap3A_555 = arith.index_cast %select_n3A_63 : i32 to index
        %swap3A_556 = arith.index_cast %scan3A_77 : i32 to index
        %swap3A_557 = arith.index_cast %swap3A_554 : i32 to index
        %swap3A_558 = arith.constant 32 : index
        %swap3A_559 = tpu.vector_load %arg5[%swap3A_555, %swap3A_556, %swap3A_557, %swap3A_558] {strides = array<i32>} : memref<2x32x8x128xf32, #tpu.memory_space<vmem>>, vector<1x1x1x16xf32>,
        %swap3A_560 = vector.shape_cast %swap3A_559 : vector<1x1x1x16xf32> to vector<16xf32>
        %swap3A_561 = vector.shape_cast %get3A_553 : vector<16xf32> to vector<1x1x1x16xf32>
        tpu.vector_store %arg5[%swap3A_555, %swap3A_556, %swap3A_557, %swap3A_558], %swap3A_561 {strides = array<i32>} : memref<2x32x8x128xf32, #tpu.memory_space<vmem>>, vector<1x1x1x16xf32>,
        %mul3A_562 = arith.constant 128 : i32
        %mul3A_563 = arith.muli %mul3A_562, %scan3A_77 : i32
        %add3A_564 = arith.constant 12288 : i32
        %add3A_565 = arith.addi %add3A_564, %mul3A_563 : i32
        %add3A_566 = arith.addi %add3A_565, %add3A_47 : i32
        %add3A_567 = arith.constant 48 : i32
        %add3A_568 = arith.addi %add3A_566, %add3A_567 : i32
        %get3A_569 = arith.index_cast %add3A_568 : i32 to index
        %get3A_570 = tpu.vector_load %arg4[%get3A_569] {strides = array<i32>} : memref<32896xf32, #tpu.memory_space<vmem>>, vector<16xf32>,
        %get3A_571 = vector.shape_cast %get3A_570 : vector<16xf32> to vector<16xf32>
        %swap3A_572 = arith.constant 3 : i32
        %swap3A_573 = arith.index_cast %select_n3A_63 : i32 to index
        %swap3A_574 = arith.index_cast %scan3A_77 : i32 to index
        %swap3A_575 = arith.index_cast %swap3A_572 : i32 to index
        %swap3A_576 = arith.constant 48 : index
        %swap3A_577 = tpu.vector_load %arg5[%swap3A_573, %swap3A_574, %swap3A_575, %swap3A_576] {strides = array<i32>} : memref<2x32x8x128xf32, #tpu.memory_space<vmem>>, vector<1x1x1x16xf32>,
        %swap3A_578 = vector.shape_cast %swap3A_577 : vector<1x1x1x16xf32> to vector<16xf32>
        %swap3A_579 = vector.shape_cast %get3A_571 : vector<16xf32> to vector<1x1x1x16xf32>
        tpu.vector_store %arg5[%swap3A_573, %swap3A_574, %swap3A_575, %swap3A_576], %swap3A_579 {strides = array<i32>} : memref<2x32x8x128xf32, #tpu.memory_space<vmem>>, vector<1x1x1x16xf32>,
        %mul3A_580 = arith.constant 128 : i32
        %mul3A_581 = arith.muli %mul3A_580, %scan3A_77 : i32
        %add3A_582 = arith.constant 12288 : i32
        %add3A_583 = arith.addi %add3A_582, %mul3A_581 : i32
        %add3A_584 = arith.addi %add3A_583, %add3A_47 : i32
        %add3A_585 = arith.constant 64 : i32
        %add3A_586 = arith.addi %add3A_584, %add3A_585 : i32
        %get3A_587 = arith.index_cast %add3A_586 : i32 to index
        %get3A_588 = tpu.vector_load %arg4[%get3A_587] {strides = array<i32>} : memref<32896xf32, #tpu.memory_space<vmem>>, vector<16xf32>,
        %get3A_589 = vector.shape_cast %get3A_588 : vector<16xf32> to vector<16xf32>
        %swap3A_590 = arith.constant 3 : i32
        %swap3A_591 = arith.index_cast %select_n3A_63 : i32 to index
        %swap3A_592 = arith.index_cast %scan3A_77 : i32 to index
        %swap3A_593 = arith.index_cast %swap3A_590 : i32 to index
        %swap3A_594 = arith.constant 64 : index
        %swap3A_595 = tpu.vector_load %arg5[%swap3A_591, %swap3A_592, %swap3A_593, %swap3A_594] {strides = array<i32>} : memref<2x32x8x128xf32, #tpu.memory_space<vmem>>, vector<1x1x1x16xf32>,
        %swap3A_596 = vector.shape_cast %swap3A_595 : vector<1x1x1x16xf32> to vector<16xf32>
        %swap3A_597 = vector.shape_cast %get3A_589 : vector<16xf32> to vector<1x1x1x16xf32>
        tpu.vector_store %arg5[%swap3A_591, %swap3A_592, %swap3A_593, %swap3A_594], %swap3A_597 {strides = array<i32>} : memref<2x32x8x128xf32, #tpu.memory_space<vmem>>, vector<1x1x1x16xf32>,
        %mul3A_598 = arith.constant 128 : i32
        %mul3A_599 = arith.muli %mul3A_598, %scan3A_77 : i32
        %add3A_600 = arith.constant 12288 : i32
        %add3A_601 = arith.addi %add3A_600, %mul3A_599 : i32
        %add3A_602 = arith.addi %add3A_601, %add3A_47 : i32
        %add3A_603 = arith.constant 80 : i32
        %add3A_604 = arith.addi %add3A_602, %add3A_603 : i32
        %get3A_605 = arith.index_cast %add3A_604 : i32 to index
        %get3A_606 = tpu.vector_load %arg4[%get3A_605] {strides = array<i32>} : memref<32896xf32, #tpu.memory_space<vmem>>, vector<16xf32>,
        %get3A_607 = vector.shape_cast %get3A_606 : vector<16xf32> to vector<16xf32>
        %swap3A_608 = arith.constant 3 : i32
        %swap3A_609 = arith.index_cast %select_n3A_63 : i32 to index
        %swap3A_610 = arith.index_cast %scan3A_77 : i32 to index
        %swap3A_611 = arith.index_cast %swap3A_608 : i32 to index
        %swap3A_612 = arith.constant 80 : index
        %swap3A_613 = tpu.vector_load %arg5[%swap3A_609, %swap3A_610, %swap3A_611, %swap3A_612] {strides = array<i32>} : memref<2x32x8x128xf32, #tpu.memory_space<vmem>>, vector<1x1x1x16xf32>,
        %swap3A_614 = vector.shape_cast %swap3A_613 : vector<1x1x1x16xf32> to vector<16xf32>
        %swap3A_615 = vector.shape_cast %get3A_607 : vector<16xf32> to vector<1x1x1x16xf32>
        tpu.vector_store %arg5[%swap3A_609, %swap3A_610, %swap3A_611, %swap3A_612], %swap3A_615 {strides = array<i32>} : memref<2x32x8x128xf32, #tpu.memory_space<vmem>>, vector<1x1x1x16xf32>,
        %mul3A_616 = arith.constant 128 : i32
        %mul3A_617 = arith.muli %mul3A_616, %scan3A_77 : i32
        %add3A_618 = arith.constant 12288 : i32
        %add3A_619 = arith.addi %add3A_618, %mul3A_617 : i32
        %add3A_620 = arith.addi %add3A_619, %add3A_47 : i32
        %add3A_621 = arith.constant 96 : i32
        %add3A_622 = arith.addi %add3A_620, %add3A_621 : i32
        %get3A_623 = arith.index_cast %add3A_622 : i32 to index
        %get3A_624 = tpu.vector_load %arg4[%get3A_623] {strides = array<i32>} : memref<32896xf32, #tpu.memory_space<vmem>>, vector<16xf32>,
        %get3A_625 = vector.shape_cast %get3A_624 : vector<16xf32> to vector<16xf32>
        %swap3A_626 = arith.constant 3 : i32
        %swap3A_627 = arith.index_cast %select_n3A_63 : i32 to index
        %swap3A_628 = arith.index_cast %scan3A_77 : i32 to index
        %swap3A_629 = arith.index_cast %swap3A_626 : i32 to index
        %swap3A_630 = arith.constant 96 : index
        %swap3A_631 = tpu.vector_load %arg5[%swap3A_627, %swap3A_628, %swap3A_629, %swap3A_630] {strides = array<i32>} : memref<2x32x8x128xf32, #tpu.memory_space<vmem>>, vector<1x1x1x16xf32>,
        %swap3A_632 = vector.shape_cast %swap3A_631 : vector<1x1x1x16xf32> to vector<16xf32>
        %swap3A_633 = vector.shape_cast %get3A_625 : vector<16xf32> to vector<1x1x1x16xf32>
        tpu.vector_store %arg5[%swap3A_627, %swap3A_628, %swap3A_629, %swap3A_630], %swap3A_633 {strides = array<i32>} : memref<2x32x8x128xf32, #tpu.memory_space<vmem>>, vector<1x1x1x16xf32>,
        %mul3A_634 = arith.constant 128 : i32
        %mul3A_635 = arith.muli %mul3A_634, %scan3A_77 : i32
        %add3A_636 = arith.constant 12288 : i32
        %add3A_637 = arith.addi %add3A_636, %mul3A_635 : i32
        %add3A_638 = arith.addi %add3A_637, %add3A_47 : i32
        %add3A_639 = arith.constant 112 : i32
        %add3A_640 = arith.addi %add3A_638, %add3A_639 : i32
        %get3A_641 = arith.index_cast %add3A_640 : i32 to index
        %get3A_642 = tpu.vector_load %arg4[%get3A_641] {strides = array<i32>} : memref<32896xf32, #tpu.memory_space<vmem>>, vector<16xf32>,
        %get3A_643 = vector.shape_cast %get3A_642 : vector<16xf32> to vector<16xf32>
        %swap3A_644 = arith.constant 3 : i32
        %swap3A_645 = arith.index_cast %select_n3A_63 : i32 to index
        %swap3A_646 = arith.index_cast %scan3A_77 : i32 to index
        %swap3A_647 = arith.index_cast %swap3A_644 : i32 to index
        %swap3A_648 = arith.constant 112 : index
        %swap3A_649 = tpu.vector_load %arg5[%swap3A_645, %swap3A_646, %swap3A_647, %swap3A_648] {strides = array<i32>} : memref<2x32x8x128xf32, #tpu.memory_space<vmem>>, vector<1x1x1x16xf32>,
        %swap3A_650 = vector.shape_cast %swap3A_649 : vector<1x1x1x16xf32> to vector<16xf32>
        %swap3A_651 = vector.shape_cast %get3A_643 : vector<16xf32> to vector<1x1x1x16xf32>
        tpu.vector_store %arg5[%swap3A_645, %swap3A_646, %swap3A_647, %swap3A_648], %swap3A_651 {strides = array<i32>} : memref<2x32x8x128xf32, #tpu.memory_space<vmem>>, vector<1x1x1x16xf32>,
        %mul3A_652 = arith.constant 128 : i32
        %mul3A_653 = arith.muli %mul3A_652, %scan3A_77 : i32
        %add3A_654 = arith.constant 16384 : i32
        %add3A_655 = arith.addi %add3A_654, %mul3A_653 : i32
        %add3A_656 = arith.addi %add3A_655, %add3A_47 : i32
        %add3A_657 = arith.constant 0 : i32
        %add3A_658 = arith.addi %add3A_656, %add3A_657 : i32
        %get3A_659 = arith.index_cast %add3A_658 : i32 to index
        %get3A_660 = tpu.vector_load %arg4[%get3A_659] {strides = array<i32>} : memref<32896xf32, #tpu.memory_space<vmem>>, vector<16xf32>,
        %get3A_661 = vector.shape_cast %get3A_660 : vector<16xf32> to vector<16xf32>
        %swap3A_662 = arith.constant 4 : i32
        %swap3A_663 = arith.index_cast %select_n3A_63 : i32 to index
        %swap3A_664 = arith.index_cast %scan3A_77 : i32 to index
        %swap3A_665 = arith.index_cast %swap3A_662 : i32 to index
        %swap3A_666 = arith.constant 0 : index
        %swap3A_667 = tpu.vector_load %arg5[%swap3A_663, %swap3A_664, %swap3A_665, %swap3A_666] {strides = array<i32>} : memref<2x32x8x128xf32, #tpu.memory_space<vmem>>, vector<1x1x1x16xf32>,
        %swap3A_668 = vector.shape_cast %swap3A_667 : vector<1x1x1x16xf32> to vector<16xf32>
        %swap3A_669 = vector.shape_cast %get3A_661 : vector<16xf32> to vector<1x1x1x16xf32>
        tpu.vector_store %arg5[%swap3A_663, %swap3A_664, %swap3A_665, %swap3A_666], %swap3A_669 {strides = array<i32>} : memref<2x32x8x128xf32, #tpu.memory_space<vmem>>, vector<1x1x1x16xf32>,
        %mul3A_670 = arith.constant 128 : i32
        %mul3A_671 = arith.muli %mul3A_670, %scan3A_77 : i32
        %add3A_672 = arith.constant 16384 : i32
        %add3A_673 = arith.addi %add3A_672, %mul3A_671 : i32
        %add3A_674 = arith.addi %add3A_673, %add3A_47 : i32
        %add3A_675 = arith.constant 16 : i32
        %add3A_676 = arith.addi %add3A_674, %add3A_675 : i32
        %get3A_677 = arith.index_cast %add3A_676 : i32 to index
        %get3A_678 = tpu.vector_load %arg4[%get3A_677] {strides = array<i32>} : memref<32896xf32, #tpu.memory_space<vmem>>, vector<16xf32>,
        %get3A_679 = vector.shape_cast %get3A_678 : vector<16xf32> to vector<16xf32>
        %swap3A_680 = arith.constant 4 : i32
        %swap3A_681 = arith.index_cast %select_n3A_63 : i32 to index
        %swap3A_682 = arith.index_cast %scan3A_77 : i32 to index
        %swap3A_683 = arith.index_cast %swap3A_680 : i32 to index
        %swap3A_684 = arith.constant 16 : index
        %swap3A_685 = tpu.vector_load %arg5[%swap3A_681, %swap3A_682, %swap3A_683, %swap3A_684] {strides = array<i32>} : memref<2x32x8x128xf32, #tpu.memory_space<vmem>>, vector<1x1x1x16xf32>,
        %swap3A_686 = vector.shape_cast %swap3A_685 : vector<1x1x1x16xf32> to vector<16xf32>
        %swap3A_687 = vector.shape_cast %get3A_679 : vector<16xf32> to vector<1x1x1x16xf32>
        tpu.vector_store %arg5[%swap3A_681, %swap3A_682, %swap3A_683, %swap3A_684], %swap3A_687 {strides = array<i32>} : memref<2x32x8x128xf32, #tpu.memory_space<vmem>>, vector<1x1x1x16xf32>,
        %mul3A_688 = arith.constant 128 : i32
        %mul3A_689 = arith.muli %mul3A_688, %scan3A_77 : i32
        %add3A_690 = arith.constant 16384 : i32
        %add3A_691 = arith.addi %add3A_690, %mul3A_689 : i32
        %add3A_692 = arith.addi %add3A_691, %add3A_47 : i32
        %add3A_693 = arith.constant 32 : i32
        %add3A_694 = arith.addi %add3A_692, %add3A_693 : i32
        %get3A_695 = arith.index_cast %add3A_694 : i32 to index
        %get3A_696 = tpu.vector_load %arg4[%get3A_695] {strides = array<i32>} : memref<32896xf32, #tpu.memory_space<vmem>>, vector<16xf32>,
        %get3A_697 = vector.shape_cast %get3A_696 : vector<16xf32> to vector<16xf32>
        %swap3A_698 = arith.constant 4 : i32
        %swap3A_699 = arith.index_cast %select_n3A_63 : i32 to index
        %swap3A_700 = arith.index_cast %scan3A_77 : i32 to index
        %swap3A_701 = arith.index_cast %swap3A_698 : i32 to index
        %swap3A_702 = arith.constant 32 : index
        %swap3A_703 = tpu.vector_load %arg5[%swap3A_699, %swap3A_700, %swap3A_701, %swap3A_702] {strides = array<i32>} : memref<2x32x8x128xf32, #tpu.memory_space<vmem>>, vector<1x1x1x16xf32>,
        %swap3A_704 = vector.shape_cast %swap3A_703 : vector<1x1x1x16xf32> to vector<16xf32>
        %swap3A_705 = vector.shape_cast %get3A_697 : vector<16xf32> to vector<1x1x1x16xf32>
        tpu.vector_store %arg5[%swap3A_699, %swap3A_700, %swap3A_701, %swap3A_702], %swap3A_705 {strides = array<i32>} : memref<2x32x8x128xf32, #tpu.memory_space<vmem>>, vector<1x1x1x16xf32>,
        %mul3A_706 = arith.constant 128 : i32
        %mul3A_707 = arith.muli %mul3A_706, %scan3A_77 : i32
        %add3A_708 = arith.constant 16384 : i32
        %add3A_709 = arith.addi %add3A_708, %mul3A_707 : i32
        %add3A_710 = arith.addi %add3A_709, %add3A_47 : i32
        %add3A_711 = arith.constant 48 : i32
        %add3A_712 = arith.addi %add3A_710, %add3A_711 : i32
        %get3A_713 = arith.index_cast %add3A_712 : i32 to index
        %get3A_714 = tpu.vector_load %arg4[%get3A_713] {strides = array<i32>} : memref<32896xf32, #tpu.memory_space<vmem>>, vector<16xf32>,
        %get3A_715 = vector.shape_cast %get3A_714 : vector<16xf32> to vector<16xf32>
        %swap3A_716 = arith.constant 4 : i32
        %swap3A_717 = arith.index_cast %select_n3A_63 : i32 to index
        %swap3A_718 = arith.index_cast %scan3A_77 : i32 to index
        %swap3A_719 = arith.index_cast %swap3A_716 : i32 to index
        %swap3A_720 = arith.constant 48 : index
        %swap3A_721 = tpu.vector_load %arg5[%swap3A_717, %swap3A_718, %swap3A_719, %swap3A_720] {strides = array<i32>} : memref<2x32x8x128xf32, #tpu.memory_space<vmem>>, vector<1x1x1x16xf32>,
        %swap3A_722 = vector.shape_cast %swap3A_721 : vector<1x1x1x16xf32> to vector<16xf32>
        %swap3A_723 = vector.shape_cast %get3A_715 : vector<16xf32> to vector<1x1x1x16xf32>
        tpu.vector_store %arg5[%swap3A_717, %swap3A_718, %swap3A_719, %swap3A_720], %swap3A_723 {strides = array<i32>} : memref<2x32x8x128xf32, #tpu.memory_space<vmem>>, vector<1x1x1x16xf32>,
        %mul3A_724 = arith.constant 128 : i32
        %mul3A_725 = arith.muli %mul3A_724, %scan3A_77 : i32
        %add3A_726 = arith.constant 16384 : i32
        %add3A_727 = arith.addi %add3A_726, %mul3A_725 : i32
        %add3A_728 = arith.addi %add3A_727, %add3A_47 : i32
        %add3A_729 = arith.constant 64 : i32
        %add3A_730 = arith.addi %add3A_728, %add3A_729 : i32
        %get3A_731 = arith.index_cast %add3A_730 : i32 to index
        %get3A_732 = tpu.vector_load %arg4[%get3A_731] {strides = array<i32>} : memref<32896xf32, #tpu.memory_space<vmem>>, vector<16xf32>,
        %get3A_733 = vector.shape_cast %get3A_732 : vector<16xf32> to vector<16xf32>
        %swap3A_734 = arith.constant 4 : i32
        %swap3A_735 = arith.index_cast %select_n3A_63 : i32 to index
        %swap3A_736 = arith.index_cast %scan3A_77 : i32 to index
        %swap3A_737 = arith.index_cast %swap3A_734 : i32 to index
        %swap3A_738 = arith.constant 64 : index
        %swap3A_739 = tpu.vector_load %arg5[%swap3A_735, %swap3A_736, %swap3A_737, %swap3A_738] {strides = array<i32>} : memref<2x32x8x128xf32, #tpu.memory_space<vmem>>, vector<1x1x1x16xf32>,
        %swap3A_740 = vector.shape_cast %swap3A_739 : vector<1x1x1x16xf32> to vector<16xf32>
        %swap3A_741 = vector.shape_cast %get3A_733 : vector<16xf32> to vector<1x1x1x16xf32>
        tpu.vector_store %arg5[%swap3A_735, %swap3A_736, %swap3A_737, %swap3A_738], %swap3A_741 {strides = array<i32>} : memref<2x32x8x128xf32, #tpu.memory_space<vmem>>, vector<1x1x1x16xf32>,
        %mul3A_742 = arith.constant 128 : i32
        %mul3A_743 = arith.muli %mul3A_742, %scan3A_77 : i32
        %add3A_744 = arith.constant 16384 : i32
        %add3A_745 = arith.addi %add3A_744, %mul3A_743 : i32
        %add3A_746 = arith.addi %add3A_745, %add3A_47 : i32
        %add3A_747 = arith.constant 80 : i32
        %add3A_748 = arith.addi %add3A_746, %add3A_747 : i32
        %get3A_749 = arith.index_cast %add3A_748 : i32 to index
        %get3A_750 = tpu.vector_load %arg4[%get3A_749] {strides = array<i32>} : memref<32896xf32, #tpu.memory_space<vmem>>, vector<16xf32>,
        %get3A_751 = vector.shape_cast %get3A_750 : vector<16xf32> to vector<16xf32>
        %swap3A_752 = arith.constant 4 : i32
        %swap3A_753 = arith.index_cast %select_n3A_63 : i32 to index
        %swap3A_754 = arith.index_cast %scan3A_77 : i32 to index
        %swap3A_755 = arith.index_cast %swap3A_752 : i32 to index
        %swap3A_756 = arith.constant 80 : index
        %swap3A_757 = tpu.vector_load %arg5[%swap3A_753, %swap3A_754, %swap3A_755, %swap3A_756] {strides = array<i32>} : memref<2x32x8x128xf32, #tpu.memory_space<vmem>>, vector<1x1x1x16xf32>,
        %swap3A_758 = vector.shape_cast %swap3A_757 : vector<1x1x1x16xf32> to vector<16xf32>
        %swap3A_759 = vector.shape_cast %get3A_751 : vector<16xf32> to vector<1x1x1x16xf32>
        tpu.vector_store %arg5[%swap3A_753, %swap3A_754, %swap3A_755, %swap3A_756], %swap3A_759 {strides = array<i32>} : memref<2x32x8x128xf32, #tpu.memory_space<vmem>>, vector<1x1x1x16xf32>,
        %mul3A_760 = arith.constant 128 : i32
        %mul3A_761 = arith.muli %mul3A_760, %scan3A_77 : i32
        %add3A_762 = arith.constant 16384 : i32
        %add3A_763 = arith.addi %add3A_762, %mul3A_761 : i32
        %add3A_764 = arith.addi %add3A_763, %add3A_47 : i32
        %add3A_765 = arith.constant 96 : i32
        %add3A_766 = arith.addi %add3A_764, %add3A_765 : i32
        %get3A_767 = arith.index_cast %add3A_766 : i32 to index
        %get3A_768 = tpu.vector_load %arg4[%get3A_767] {strides = array<i32>} : memref<32896xf32, #tpu.memory_space<vmem>>, vector<16xf32>,
        %get3A_769 = vector.shape_cast %get3A_768 : vector<16xf32> to vector<16xf32>
        %swap3A_770 = arith.constant 4 : i32
        %swap3A_771 = arith.index_cast %select_n3A_63 : i32 to index
        %swap3A_772 = arith.index_cast %scan3A_77 : i32 to index
        %swap3A_773 = arith.index_cast %swap3A_770 : i32 to index
        %swap3A_774 = arith.constant 96 : index
        %swap3A_775 = tpu.vector_load %arg5[%swap3A_771, %swap3A_772, %swap3A_773, %swap3A_774] {strides = array<i32>} : memref<2x32x8x128xf32, #tpu.memory_space<vmem>>, vector<1x1x1x16xf32>,
        %swap3A_776 = vector.shape_cast %swap3A_775 : vector<1x1x1x16xf32> to vector<16xf32>
        %swap3A_777 = vector.shape_cast %get3A_769 : vector<16xf32> to vector<1x1x1x16xf32>
        tpu.vector_store %arg5[%swap3A_771, %swap3A_772, %swap3A_773, %swap3A_774], %swap3A_777 {strides = array<i32>} : memref<2x32x8x128xf32, #tpu.memory_space<vmem>>, vector<1x1x1x16xf32>,
        %mul3A_778 = arith.constant 128 : i32
        %mul3A_779 = arith.muli %mul3A_778, %scan3A_77 : i32
        %add3A_780 = arith.constant 16384 : i32
        %add3A_781 = arith.addi %add3A_780, %mul3A_779 : i32
        %add3A_782 = arith.addi %add3A_781, %add3A_47 : i32
        %add3A_783 = arith.constant 112 : i32
        %add3A_784 = arith.addi %add3A_782, %add3A_783 : i32
        %get3A_785 = arith.index_cast %add3A_784 : i32 to index
        %get3A_786 = tpu.vector_load %arg4[%get3A_785] {strides = array<i32>} : memref<32896xf32, #tpu.memory_space<vmem>>, vector<16xf32>,
        %get3A_787 = vector.shape_cast %get3A_786 : vector<16xf32> to vector<16xf32>
        %swap3A_788 = arith.constant 4 : i32
        %swap3A_789 = arith.index_cast %select_n3A_63 : i32 to index
        %swap3A_790 = arith.index_cast %scan3A_77 : i32 to index
        %swap3A_791 = arith.index_cast %swap3A_788 : i32 to index
        %swap3A_792 = arith.constant 112 : index
        %swap3A_793 = tpu.vector_load %arg5[%swap3A_789, %swap3A_790, %swap3A_791, %swap3A_792] {strides = array<i32>} : memref<2x32x8x128xf32, #tpu.memory_space<vmem>>, vector<1x1x1x16xf32>,
        %swap3A_794 = vector.shape_cast %swap3A_793 : vector<1x1x1x16xf32> to vector<16xf32>
        %swap3A_795 = vector.shape_cast %get3A_787 : vector<16xf32> to vector<1x1x1x16xf32>
        tpu.vector_store %arg5[%swap3A_789, %swap3A_790, %swap3A_791, %swap3A_792], %swap3A_795 {strides = array<i32>} : memref<2x32x8x128xf32, #tpu.memory_space<vmem>>, vector<1x1x1x16xf32>,
        %mul3A_796 = arith.constant 128 : i32
        %mul3A_797 = arith.muli %mul3A_796, %scan3A_77 : i32
        %add3A_798 = arith.constant 20480 : i32
        %add3A_799 = arith.addi %add3A_798, %mul3A_797 : i32
        %add3A_800 = arith.addi %add3A_799, %add3A_47 : i32
        %add3A_801 = arith.constant 0 : i32
        %add3A_802 = arith.addi %add3A_800, %add3A_801 : i32
        %get3A_803 = arith.index_cast %add3A_802 : i32 to index
        %get3A_804 = tpu.vector_load %arg4[%get3A_803] {strides = array<i32>} : memref<32896xf32, #tpu.memory_space<vmem>>, vector<16xf32>,
        %get3A_805 = vector.shape_cast %get3A_804 : vector<16xf32> to vector<16xf32>
        %swap3A_806 = arith.constant 5 : i32
        %swap3A_807 = arith.index_cast %select_n3A_63 : i32 to index
        %swap3A_808 = arith.index_cast %scan3A_77 : i32 to index
        %swap3A_809 = arith.index_cast %swap3A_806 : i32 to index
        %swap3A_810 = arith.constant 0 : index
        %swap3A_811 = tpu.vector_load %arg5[%swap3A_807, %swap3A_808, %swap3A_809, %swap3A_810] {strides = array<i32>} : memref<2x32x8x128xf32, #tpu.memory_space<vmem>>, vector<1x1x1x16xf32>,
        %swap3A_812 = vector.shape_cast %swap3A_811 : vector<1x1x1x16xf32> to vector<16xf32>
        %swap3A_813 = vector.shape_cast %get3A_805 : vector<16xf32> to vector<1x1x1x16xf32>
        tpu.vector_store %arg5[%swap3A_807, %swap3A_808, %swap3A_809, %swap3A_810], %swap3A_813 {strides = array<i32>} : memref<2x32x8x128xf32, #tpu.memory_space<vmem>>, vector<1x1x1x16xf32>,
        %mul3A_814 = arith.constant 128 : i32
        %mul3A_815 = arith.muli %mul3A_814, %scan3A_77 : i32
        %add3A_816 = arith.constant 20480 : i32
        %add3A_817 = arith.addi %add3A_816, %mul3A_815 : i32
        %add3A_818 = arith.addi %add3A_817, %add3A_47 : i32
        %add3A_819 = arith.constant 16 : i32
        %add3A_820 = arith.addi %add3A_818, %add3A_819 : i32
        %get3A_821 = arith.index_cast %add3A_820 : i32 to index
        %get3A_822 = tpu.vector_load %arg4[%get3A_821] {strides = array<i32>} : memref<32896xf32, #tpu.memory_space<vmem>>, vector<16xf32>,
        %get3A_823 = vector.shape_cast %get3A_822 : vector<16xf32> to vector<16xf32>
        %swap3A_824 = arith.constant 5 : i32
        %swap3A_825 = arith.index_cast %select_n3A_63 : i32 to index
        %swap3A_826 = arith.index_cast %scan3A_77 : i32 to index
        %swap3A_827 = arith.index_cast %swap3A_824 : i32 to index
        %swap3A_828 = arith.constant 16 : index
        %swap3A_829 = tpu.vector_load %arg5[%swap3A_825, %swap3A_826, %swap3A_827, %swap3A_828] {strides = array<i32>} : memref<2x32x8x128xf32, #tpu.memory_space<vmem>>, vector<1x1x1x16xf32>,
        %swap3A_830 = vector.shape_cast %swap3A_829 : vector<1x1x1x16xf32> to vector<16xf32>
        %swap3A_831 = vector.shape_cast %get3A_823 : vector<16xf32> to vector<1x1x1x16xf32>
        tpu.vector_store %arg5[%swap3A_825, %swap3A_826, %swap3A_827, %swap3A_828], %swap3A_831 {strides = array<i32>} : memref<2x32x8x128xf32, #tpu.memory_space<vmem>>, vector<1x1x1x16xf32>,
        %mul3A_832 = arith.constant 128 : i32
        %mul3A_833 = arith.muli %mul3A_832, %scan3A_77 : i32
        %add3A_834 = arith.constant 20480 : i32
        %add3A_835 = arith.addi %add3A_834, %mul3A_833 : i32
        %add3A_836 = arith.addi %add3A_835, %add3A_47 : i32
        %add3A_837 = arith.constant 32 : i32
        %add3A_838 = arith.addi %add3A_836, %add3A_837 : i32
        %get3A_839 = arith.index_cast %add3A_838 : i32 to index
        %get3A_840 = tpu.vector_load %arg4[%get3A_839] {strides = array<i32>} : memref<32896xf32, #tpu.memory_space<vmem>>, vector<16xf32>,
        %get3A_841 = vector.shape_cast %get3A_840 : vector<16xf32> to vector<16xf32>
        %swap3A_842 = arith.constant 5 : i32
        %swap3A_843 = arith.index_cast %select_n3A_63 : i32 to index
        %swap3A_844 = arith.index_cast %scan3A_77 : i32 to index
        %swap3A_845 = arith.index_cast %swap3A_842 : i32 to index
        %swap3A_846 = arith.constant 32 : index
        %swap3A_847 = tpu.vector_load %arg5[%swap3A_843, %swap3A_844, %swap3A_845, %swap3A_846] {strides = array<i32>} : memref<2x32x8x128xf32, #tpu.memory_space<vmem>>, vector<1x1x1x16xf32>,
        %swap3A_848 = vector.shape_cast %swap3A_847 : vector<1x1x1x16xf32> to vector<16xf32>
        %swap3A_849 = vector.shape_cast %get3A_841 : vector<16xf32> to vector<1x1x1x16xf32>
        tpu.vector_store %arg5[%swap3A_843, %swap3A_844, %swap3A_845, %swap3A_846], %swap3A_849 {strides = array<i32>} : memref<2x32x8x128xf32, #tpu.memory_space<vmem>>, vector<1x1x1x16xf32>,
        %mul3A_850 = arith.constant 128 : i32
        %mul3A_851 = arith.muli %mul3A_850, %scan3A_77 : i32
        %add3A_852 = arith.constant 20480 : i32
        %add3A_853 = arith.addi %add3A_852, %mul3A_851 : i32
        %add3A_854 = arith.addi %add3A_853, %add3A_47 : i32
        %add3A_855 = arith.constant 48 : i32
        %add3A_856 = arith.addi %add3A_854, %add3A_855 : i32
        %get3A_857 = arith.index_cast %add3A_856 : i32 to index
        %get3A_858 = tpu.vector_load %arg4[%get3A_857] {strides = array<i32>} : memref<32896xf32, #tpu.memory_space<vmem>>, vector<16xf32>,
        %get3A_859 = vector.shape_cast %get3A_858 : vector<16xf32> to vector<16xf32>
        %swap3A_860 = arith.constant 5 : i32
        %swap3A_861 = arith.index_cast %select_n3A_63 : i32 to index
        %swap3A_862 = arith.index_cast %scan3A_77 : i32 to index
        %swap3A_863 = arith.index_cast %swap3A_860 : i32 to index
        %swap3A_864 = arith.constant 48 : index
        %swap3A_865 = tpu.vector_load %arg5[%swap3A_861, %swap3A_862, %swap3A_863, %swap3A_864] {strides = array<i32>} : memref<2x32x8x128xf32, #tpu.memory_space<vmem>>, vector<1x1x1x16xf32>,
        %swap3A_866 = vector.shape_cast %swap3A_865 : vector<1x1x1x16xf32> to vector<16xf32>
        %swap3A_867 = vector.shape_cast %get3A_859 : vector<16xf32> to vector<1x1x1x16xf32>
        tpu.vector_store %arg5[%swap3A_861, %swap3A_862, %swap3A_863, %swap3A_864], %swap3A_867 {strides = array<i32>} : memref<2x32x8x128xf32, #tpu.memory_space<vmem>>, vector<1x1x1x16xf32>,
        %mul3A_868 = arith.constant 128 : i32
        %mul3A_869 = arith.muli %mul3A_868, %scan3A_77 : i32
        %add3A_870 = arith.constant 20480 : i32
        %add3A_871 = arith.addi %add3A_870, %mul3A_869 : i32
        %add3A_872 = arith.addi %add3A_871, %add3A_47 : i32
        %add3A_873 = arith.constant 64 : i32
        %add3A_874 = arith.addi %add3A_872, %add3A_873 : i32
        %get3A_875 = arith.index_cast %add3A_874 : i32 to index
        %get3A_876 = tpu.vector_load %arg4[%get3A_875] {strides = array<i32>} : memref<32896xf32, #tpu.memory_space<vmem>>, vector<16xf32>,
        %get3A_877 = vector.shape_cast %get3A_876 : vector<16xf32> to vector<16xf32>
        %swap3A_878 = arith.constant 5 : i32
        %swap3A_879 = arith.index_cast %select_n3A_63 : i32 to index
        %swap3A_880 = arith.index_cast %scan3A_77 : i32 to index
        %swap3A_881 = arith.index_cast %swap3A_878 : i32 to index
        %swap3A_882 = arith.constant 64 : index
        %swap3A_883 = tpu.vector_load %arg5[%swap3A_879, %swap3A_880, %swap3A_881, %swap3A_882] {strides = array<i32>} : memref<2x32x8x128xf32, #tpu.memory_space<vmem>>, vector<1x1x1x16xf32>,
        %swap3A_884 = vector.shape_cast %swap3A_883 : vector<1x1x1x16xf32> to vector<16xf32>
        %swap3A_885 = vector.shape_cast %get3A_877 : vector<16xf32> to vector<1x1x1x16xf32>
        tpu.vector_store %arg5[%swap3A_879, %swap3A_880, %swap3A_881, %swap3A_882], %swap3A_885 {strides = array<i32>} : memref<2x32x8x128xf32, #tpu.memory_space<vmem>>, vector<1x1x1x16xf32>,
        %mul3A_886 = arith.constant 128 : i32
        %mul3A_887 = arith.muli %mul3A_886, %scan3A_77 : i32
        %add3A_888 = arith.constant 20480 : i32
        %add3A_889 = arith.addi %add3A_888, %mul3A_887 : i32
        %add3A_890 = arith.addi %add3A_889, %add3A_47 : i32
        %add3A_891 = arith.constant 80 : i32
        %add3A_892 = arith.addi %add3A_890, %add3A_891 : i32
        %get3A_893 = arith.index_cast %add3A_892 : i32 to index
        %get3A_894 = tpu.vector_load %arg4[%get3A_893] {strides = array<i32>} : memref<32896xf32, #tpu.memory_space<vmem>>, vector<16xf32>,
        %get3A_895 = vector.shape_cast %get3A_894 : vector<16xf32> to vector<16xf32>
        %swap3A_896 = arith.constant 5 : i32
        %swap3A_897 = arith.index_cast %select_n3A_63 : i32 to index
        %swap3A_898 = arith.index_cast %scan3A_77 : i32 to index
        %swap3A_899 = arith.index_cast %swap3A_896 : i32 to index
        %swap3A_900 = arith.constant 80 : index
        %swap3A_901 = tpu.vector_load %arg5[%swap3A_897, %swap3A_898, %swap3A_899, %swap3A_900] {strides = array<i32>} : memref<2x32x8x128xf32, #tpu.memory_space<vmem>>, vector<1x1x1x16xf32>,
        %swap3A_902 = vector.shape_cast %swap3A_901 : vector<1x1x1x16xf32> to vector<16xf32>
        %swap3A_903 = vector.shape_cast %get3A_895 : vector<16xf32> to vector<1x1x1x16xf32>
        tpu.vector_store %arg5[%swap3A_897, %swap3A_898, %swap3A_899, %swap3A_900], %swap3A_903 {strides = array<i32>} : memref<2x32x8x128xf32, #tpu.memory_space<vmem>>, vector<1x1x1x16xf32>,
        %mul3A_904 = arith.constant 128 : i32
        %mul3A_905 = arith.muli %mul3A_904, %scan3A_77 : i32
        %add3A_906 = arith.constant 20480 : i32
        %add3A_907 = arith.addi %add3A_906, %mul3A_905 : i32
        %add3A_908 = arith.addi %add3A_907, %add3A_47 : i32
        %add3A_909 = arith.constant 96 : i32
        %add3A_910 = arith.addi %add3A_908, %add3A_909 : i32
        %get3A_911 = arith.index_cast %add3A_910 : i32 to index
        %get3A_912 = tpu.vector_load %arg4[%get3A_911] {strides = array<i32>} : memref<32896xf32, #tpu.memory_space<vmem>>, vector<16xf32>,
        %get3A_913 = vector.shape_cast %get3A_912 : vector<16xf32> to vector<16xf32>
        %swap3A_914 = arith.constant 5 : i32
        %swap3A_915 = arith.index_cast %select_n3A_63 : i32 to index
        %swap3A_916 = arith.index_cast %scan3A_77 : i32 to index
        %swap3A_917 = arith.index_cast %swap3A_914 : i32 to index
        %swap3A_918 = arith.constant 96 : index
        %swap3A_919 = tpu.vector_load %arg5[%swap3A_915, %swap3A_916, %swap3A_917, %swap3A_918] {strides = array<i32>} : memref<2x32x8x128xf32, #tpu.memory_space<vmem>>, vector<1x1x1x16xf32>,
        %swap3A_920 = vector.shape_cast %swap3A_919 : vector<1x1x1x16xf32> to vector<16xf32>
        %swap3A_921 = vector.shape_cast %get3A_913 : vector<16xf32> to vector<1x1x1x16xf32>
        tpu.vector_store %arg5[%swap3A_915, %swap3A_916, %swap3A_917, %swap3A_918], %swap3A_921 {strides = array<i32>} : memref<2x32x8x128xf32, #tpu.memory_space<vmem>>, vector<1x1x1x16xf32>,
        %mul3A_922 = arith.constant 128 : i32
        %mul3A_923 = arith.muli %mul3A_922, %scan3A_77 : i32
        %add3A_924 = arith.constant 20480 : i32
        %add3A_925 = arith.addi %add3A_924, %mul3A_923 : i32
        %add3A_926 = arith.addi %add3A_925, %add3A_47 : i32
        %add3A_927 = arith.constant 112 : i32
        %add3A_928 = arith.addi %add3A_926, %add3A_927 : i32
        %get3A_929 = arith.index_cast %add3A_928 : i32 to index
        %get3A_930 = tpu.vector_load %arg4[%get3A_929] {strides = array<i32>} : memref<32896xf32, #tpu.memory_space<vmem>>, vector<16xf32>,
        %get3A_931 = vector.shape_cast %get3A_930 : vector<16xf32> to vector<16xf32>
        %swap3A_932 = arith.constant 5 : i32
        %swap3A_933 = arith.index_cast %select_n3A_63 : i32 to index
        %swap3A_934 = arith.index_cast %scan3A_77 : i32 to index
        %swap3A_935 = arith.index_cast %swap3A_932 : i32 to index
        %swap3A_936 = arith.constant 112 : index
        %swap3A_937 = tpu.vector_load %arg5[%swap3A_933, %swap3A_934, %swap3A_935, %swap3A_936] {strides = array<i32>} : memref<2x32x8x128xf32, #tpu.memory_space<vmem>>, vector<1x1x1x16xf32>,
        %swap3A_938 = vector.shape_cast %swap3A_937 : vector<1x1x1x16xf32> to vector<16xf32>
        %swap3A_939 = vector.shape_cast %get3A_931 : vector<16xf32> to vector<1x1x1x16xf32>
        tpu.vector_store %arg5[%swap3A_933, %swap3A_934, %swap3A_935, %swap3A_936], %swap3A_939 {strides = array<i32>} : memref<2x32x8x128xf32, #tpu.memory_space<vmem>>, vector<1x1x1x16xf32>,
        %mul3A_940 = arith.constant 128 : i32
        %mul3A_941 = arith.muli %mul3A_940, %scan3A_77 : i32
        %add3A_942 = arith.constant 24576 : i32
        %add3A_943 = arith.addi %add3A_942, %mul3A_941 : i32
        %add3A_944 = arith.addi %add3A_943, %add3A_47 : i32
        %add3A_945 = arith.constant 0 : i32
        %add3A_946 = arith.addi %add3A_944, %add3A_945 : i32
        %get3A_947 = arith.index_cast %add3A_946 : i32 to index
        %get3A_948 = tpu.vector_load %arg4[%get3A_947] {strides = array<i32>} : memref<32896xf32, #tpu.memory_space<vmem>>, vector<16xf32>,
        %get3A_949 = vector.shape_cast %get3A_948 : vector<16xf32> to vector<16xf32>
        %swap3A_950 = arith.constant 6 : i32
        %swap3A_951 = arith.index_cast %select_n3A_63 : i32 to index
        %swap3A_952 = arith.index_cast %scan3A_77 : i32 to index
        %swap3A_953 = arith.index_cast %swap3A_950 : i32 to index
        %swap3A_954 = arith.constant 0 : index
        %swap3A_955 = tpu.vector_load %arg5[%swap3A_951, %swap3A_952, %swap3A_953, %swap3A_954] {strides = array<i32>} : memref<2x32x8x128xf32, #tpu.memory_space<vmem>>, vector<1x1x1x16xf32>,
        %swap3A_956 = vector.shape_cast %swap3A_955 : vector<1x1x1x16xf32> to vector<16xf32>
        %swap3A_957 = vector.shape_cast %get3A_949 : vector<16xf32> to vector<1x1x1x16xf32>
        tpu.vector_store %arg5[%swap3A_951, %swap3A_952, %swap3A_953, %swap3A_954], %swap3A_957 {strides = array<i32>} : memref<2x32x8x128xf32, #tpu.memory_space<vmem>>, vector<1x1x1x16xf32>,
        %mul3A_958 = arith.constant 128 : i32
        %mul3A_959 = arith.muli %mul3A_958, %scan3A_77 : i32
        %add3A_960 = arith.constant 24576 : i32
        %add3A_961 = arith.addi %add3A_960, %mul3A_959 : i32
        %add3A_962 = arith.addi %add3A_961, %add3A_47 : i32
        %add3A_963 = arith.constant 16 : i32
        %add3A_964 = arith.addi %add3A_962, %add3A_963 : i32
        %get3A_965 = arith.index_cast %add3A_964 : i32 to index
        %get3A_966 = tpu.vector_load %arg4[%get3A_965] {strides = array<i32>} : memref<32896xf32, #tpu.memory_space<vmem>>, vector<16xf32>,
        %get3A_967 = vector.shape_cast %get3A_966 : vector<16xf32> to vector<16xf32>
        %swap3A_968 = arith.constant 6 : i32
        %swap3A_969 = arith.index_cast %select_n3A_63 : i32 to index
        %swap3A_970 = arith.index_cast %scan3A_77 : i32 to index
        %swap3A_971 = arith.index_cast %swap3A_968 : i32 to index
        %swap3A_972 = arith.constant 16 : index
        %swap3A_973 = tpu.vector_load %arg5[%swap3A_969, %swap3A_970, %swap3A_971, %swap3A_972] {strides = array<i32>} : memref<2x32x8x128xf32, #tpu.memory_space<vmem>>, vector<1x1x1x16xf32>,
        %swap3A_974 = vector.shape_cast %swap3A_973 : vector<1x1x1x16xf32> to vector<16xf32>
        %swap3A_975 = vector.shape_cast %get3A_967 : vector<16xf32> to vector<1x1x1x16xf32>
        tpu.vector_store %arg5[%swap3A_969, %swap3A_970, %swap3A_971, %swap3A_972], %swap3A_975 {strides = array<i32>} : memref<2x32x8x128xf32, #tpu.memory_space<vmem>>, vector<1x1x1x16xf32>,
        %mul3A_976 = arith.constant 128 : i32
        %mul3A_977 = arith.muli %mul3A_976, %scan3A_77 : i32
        %add3A_978 = arith.constant 24576 : i32
        %add3A_979 = arith.addi %add3A_978, %mul3A_977 : i32
        %add3A_980 = arith.addi %add3A_979, %add3A_47 : i32
        %add3A_981 = arith.constant 32 : i32
        %add3A_982 = arith.addi %add3A_980, %add3A_981 : i32
        %get3A_983 = arith.index_cast %add3A_982 : i32 to index
        %get3A_984 = tpu.vector_load %arg4[%get3A_983] {strides = array<i32>} : memref<32896xf32, #tpu.memory_space<vmem>>, vector<16xf32>,
        %get3A_985 = vector.shape_cast %get3A_984 : vector<16xf32> to vector<16xf32>
        %swap3A_986 = arith.constant 6 : i32
        %swap3A_987 = arith.index_cast %select_n3A_63 : i32 to index
        %swap3A_988 = arith.index_cast %scan3A_77 : i32 to index
        %swap3A_989 = arith.index_cast %swap3A_986 : i32 to index
        %swap3A_990 = arith.constant 32 : index
        %swap3A_991 = tpu.vector_load %arg5[%swap3A_987, %swap3A_988, %swap3A_989, %swap3A_990] {strides = array<i32>} : memref<2x32x8x128xf32, #tpu.memory_space<vmem>>, vector<1x1x1x16xf32>,
        %swap3A_992 = vector.shape_cast %swap3A_991 : vector<1x1x1x16xf32> to vector<16xf32>
        %swap3A_993 = vector.shape_cast %get3A_985 : vector<16xf32> to vector<1x1x1x16xf32>
        tpu.vector_store %arg5[%swap3A_987, %swap3A_988, %swap3A_989, %swap3A_990], %swap3A_993 {strides = array<i32>} : memref<2x32x8x128xf32, #tpu.memory_space<vmem>>, vector<1x1x1x16xf32>,
        %mul3A_994 = arith.constant 128 : i32
        %mul3A_995 = arith.muli %mul3A_994, %scan3A_77 : i32
        %add3A_996 = arith.constant 24576 : i32
        %add3A_997 = arith.addi %add3A_996, %mul3A_995 : i32
        %add3A_998 = arith.addi %add3A_997, %add3A_47 : i32
        %add3A_999 = arith.constant 48 : i32
        %add3A_1000 = arith.addi %add3A_998, %add3A_999 : i32
        %get3A_1001 = arith.index_cast %add3A_1000 : i32 to index
        %get3A_1002 = tpu.vector_load %arg4[%get3A_1001] {strides = array<i32>} : memref<32896xf32, #tpu.memory_space<vmem>>, vector<16xf32>,
        %get3A_1003 = vector.shape_cast %get3A_1002 : vector<16xf32> to vector<16xf32>
        %swap3A_1004 = arith.constant 6 : i32
        %swap3A_1005 = arith.index_cast %select_n3A_63 : i32 to index
        %swap3A_1006 = arith.index_cast %scan3A_77 : i32 to index
        %swap3A_1007 = arith.index_cast %swap3A_1004 : i32 to index
        %swap3A_1008 = arith.constant 48 : index
        %swap3A_1009 = tpu.vector_load %arg5[%swap3A_1005, %swap3A_1006, %swap3A_1007, %swap3A_1008] {strides = array<i32>} : memref<2x32x8x128xf32, #tpu.memory_space<vmem>>, vector<1x1x1x16xf32>,
        %swap3A_1010 = vector.shape_cast %swap3A_1009 : vector<1x1x1x16xf32> to vector<16xf32>
        %swap3A_1011 = vector.shape_cast %get3A_1003 : vector<16xf32> to vector<1x1x1x16xf32>
        tpu.vector_store %arg5[%swap3A_1005, %swap3A_1006, %swap3A_1007, %swap3A_1008], %swap3A_1011 {strides = array<i32>} : memref<2x32x8x128xf32, #tpu.memory_space<vmem>>, vector<1x1x1x16xf32>,
        %mul3A_1012 = arith.constant 128 : i32
        %mul3A_1013 = arith.muli %mul3A_1012, %scan3A_77 : i32
        %add3A_1014 = arith.constant 24576 : i32
        %add3A_1015 = arith.addi %add3A_1014, %mul3A_1013 : i32
        %add3A_1016 = arith.addi %add3A_1015, %add3A_47 : i32
        %add3A_1017 = arith.constant 64 : i32
        %add3A_1018 = arith.addi %add3A_1016, %add3A_1017 : i32
        %get3A_1019 = arith.index_cast %add3A_1018 : i32 to index
        %get3A_1020 = tpu.vector_load %arg4[%get3A_1019] {strides = array<i32>} : memref<32896xf32, #tpu.memory_space<vmem>>, vector<16xf32>,
        %get3A_1021 = vector.shape_cast %get3A_1020 : vector<16xf32> to vector<16xf32>
        %swap3A_1022 = arith.constant 6 : i32
        %swap3A_1023 = arith.index_cast %select_n3A_63 : i32 to index
        %swap3A_1024 = arith.index_cast %scan3A_77 : i32 to index
        %swap3A_1025 = arith.index_cast %swap3A_1022 : i32 to index
        %swap3A_1026 = arith.constant 64 : index
        %swap3A_1027 = tpu.vector_load %arg5[%swap3A_1023, %swap3A_1024, %swap3A_1025, %swap3A_1026] {strides = array<i32>} : memref<2x32x8x128xf32, #tpu.memory_space<vmem>>, vector<1x1x1x16xf32>,
        %swap3A_1028 = vector.shape_cast %swap3A_1027 : vector<1x1x1x16xf32> to vector<16xf32>
        %swap3A_1029 = vector.shape_cast %get3A_1021 : vector<16xf32> to vector<1x1x1x16xf32>
        tpu.vector_store %arg5[%swap3A_1023, %swap3A_1024, %swap3A_1025, %swap3A_1026], %swap3A_1029 {strides = array<i32>} : memref<2x32x8x128xf32, #tpu.memory_space<vmem>>, vector<1x1x1x16xf32>,
        %mul3A_1030 = arith.constant 128 : i32
        %mul3A_1031 = arith.muli %mul3A_1030, %scan3A_77 : i32
        %add3A_1032 = arith.constant 24576 : i32
        %add3A_1033 = arith.addi %add3A_1032, %mul3A_1031 : i32
        %add3A_1034 = arith.addi %add3A_1033, %add3A_47 : i32
        %add3A_1035 = arith.constant 80 : i32
        %add3A_1036 = arith.addi %add3A_1034, %add3A_1035 : i32
        %get3A_1037 = arith.index_cast %add3A_1036 : i32 to index
        %get3A_1038 = tpu.vector_load %arg4[%get3A_1037] {strides = array<i32>} : memref<32896xf32, #tpu.memory_space<vmem>>, vector<16xf32>,
        %get3A_1039 = vector.shape_cast %get3A_1038 : vector<16xf32> to vector<16xf32>
        %swap3A_1040 = arith.constant 6 : i32
        %swap3A_1041 = arith.index_cast %select_n3A_63 : i32 to index
        %swap3A_1042 = arith.index_cast %scan3A_77 : i32 to index
        %swap3A_1043 = arith.index_cast %swap3A_1040 : i32 to index
        %swap3A_1044 = arith.constant 80 : index
        %swap3A_1045 = tpu.vector_load %arg5[%swap3A_1041, %swap3A_1042, %swap3A_1043, %swap3A_1044] {strides = array<i32>} : memref<2x32x8x128xf32, #tpu.memory_space<vmem>>, vector<1x1x1x16xf32>,
        %swap3A_1046 = vector.shape_cast %swap3A_1045 : vector<1x1x1x16xf32> to vector<16xf32>
        %swap3A_1047 = vector.shape_cast %get3A_1039 : vector<16xf32> to vector<1x1x1x16xf32>
        tpu.vector_store %arg5[%swap3A_1041, %swap3A_1042, %swap3A_1043, %swap3A_1044], %swap3A_1047 {strides = array<i32>} : memref<2x32x8x128xf32, #tpu.memory_space<vmem>>, vector<1x1x1x16xf32>,
        %mul3A_1048 = arith.constant 128 : i32
        %mul3A_1049 = arith.muli %mul3A_1048, %scan3A_77 : i32
        %add3A_1050 = arith.constant 24576 : i32
        %add3A_1051 = arith.addi %add3A_1050, %mul3A_1049 : i32
        %add3A_1052 = arith.addi %add3A_1051, %add3A_47 : i32
        %add3A_1053 = arith.constant 96 : i32
        %add3A_1054 = arith.addi %add3A_1052, %add3A_1053 : i32
        %get3A_1055 = arith.index_cast %add3A_1054 : i32 to index
        %get3A_1056 = tpu.vector_load %arg4[%get3A_1055] {strides = array<i32>} : memref<32896xf32, #tpu.memory_space<vmem>>, vector<16xf32>,
        %get3A_1057 = vector.shape_cast %get3A_1056 : vector<16xf32> to vector<16xf32>
        %swap3A_1058 = arith.constant 6 : i32
        %swap3A_1059 = arith.index_cast %select_n3A_63 : i32 to index
        %swap3A_1060 = arith.index_cast %scan3A_77 : i32 to index
        %swap3A_1061 = arith.index_cast %swap3A_1058 : i32 to index
        %swap3A_1062 = arith.constant 96 : index
        %swap3A_1063 = tpu.vector_load %arg5[%swap3A_1059, %swap3A_1060, %swap3A_1061, %swap3A_1062] {strides = array<i32>} : memref<2x32x8x128xf32, #tpu.memory_space<vmem>>, vector<1x1x1x16xf32>,
        %swap3A_1064 = vector.shape_cast %swap3A_1063 : vector<1x1x1x16xf32> to vector<16xf32>
        %swap3A_1065 = vector.shape_cast %get3A_1057 : vector<16xf32> to vector<1x1x1x16xf32>
        tpu.vector_store %arg5[%swap3A_1059, %swap3A_1060, %swap3A_1061, %swap3A_1062], %swap3A_1065 {strides = array<i32>} : memref<2x32x8x128xf32, #tpu.memory_space<vmem>>, vector<1x1x1x16xf32>,
        %mul3A_1066 = arith.constant 128 : i32
        %mul3A_1067 = arith.muli %mul3A_1066, %scan3A_77 : i32
        %add3A_1068 = arith.constant 24576 : i32
        %add3A_1069 = arith.addi %add3A_1068, %mul3A_1067 : i32
        %add3A_1070 = arith.addi %add3A_1069, %add3A_47 : i32
        %add3A_1071 = arith.constant 112 : i32
        %add3A_1072 = arith.addi %add3A_1070, %add3A_1071 : i32
        %get3A_1073 = arith.index_cast %add3A_1072 : i32 to index
        %get3A_1074 = tpu.vector_load %arg4[%get3A_1073] {strides = array<i32>} : memref<32896xf32, #tpu.memory_space<vmem>>, vector<16xf32>,
        %get3A_1075 = vector.shape_cast %get3A_1074 : vector<16xf32> to vector<16xf32>
        %swap3A_1076 = arith.constant 6 : i32
        %swap3A_1077 = arith.index_cast %select_n3A_63 : i32 to index
        %swap3A_1078 = arith.index_cast %scan3A_77 : i32 to index
        %swap3A_1079 = arith.index_cast %swap3A_1076 : i32 to index
        %swap3A_1080 = arith.constant 112 : index
        %swap3A_1081 = tpu.vector_load %arg5[%swap3A_1077, %swap3A_1078, %swap3A_1079, %swap3A_1080] {strides = array<i32>} : memref<2x32x8x128xf32, #tpu.memory_space<vmem>>, vector<1x1x1x16xf32>,
        %swap3A_1082 = vector.shape_cast %swap3A_1081 : vector<1x1x1x16xf32> to vector<16xf32>
        %swap3A_1083 = vector.shape_cast %get3A_1075 : vector<16xf32> to vector<1x1x1x16xf32>
        tpu.vector_store %arg5[%swap3A_1077, %swap3A_1078, %swap3A_1079, %swap3A_1080], %swap3A_1083 {strides = array<i32>} : memref<2x32x8x128xf32, #tpu.memory_space<vmem>>, vector<1x1x1x16xf32>,
        %mul3A_1084 = arith.constant 128 : i32
        %mul3A_1085 = arith.muli %mul3A_1084, %scan3A_77 : i32
        %add3A_1086 = arith.constant 28672 : i32
        %add3A_1087 = arith.addi %add3A_1086, %mul3A_1085 : i32
        %add3A_1088 = arith.addi %add3A_1087, %add3A_47 : i32
        %add3A_1089 = arith.constant 0 : i32
        %add3A_1090 = arith.addi %add3A_1088, %add3A_1089 : i32
        %get3A_1091 = arith.index_cast %add3A_1090 : i32 to index
        %get3A_1092 = tpu.vector_load %arg4[%get3A_1091] {strides = array<i32>} : memref<32896xf32, #tpu.memory_space<vmem>>, vector<16xf32>,
        %get3A_1093 = vector.shape_cast %get3A_1092 : vector<16xf32> to vector<16xf32>
        %swap3A_1094 = arith.constant 7 : i32
        %swap3A_1095 = arith.index_cast %select_n3A_63 : i32 to index
        %swap3A_1096 = arith.index_cast %scan3A_77 : i32 to index
        %swap3A_1097 = arith.index_cast %swap3A_1094 : i32 to index
        %swap3A_1098 = arith.constant 0 : index
        %swap3A_1099 = tpu.vector_load %arg5[%swap3A_1095, %swap3A_1096, %swap3A_1097, %swap3A_1098] {strides = array<i32>} : memref<2x32x8x128xf32, #tpu.memory_space<vmem>>, vector<1x1x1x16xf32>,
        %swap3A_1100 = vector.shape_cast %swap3A_1099 : vector<1x1x1x16xf32> to vector<16xf32>
        %swap3A_1101 = vector.shape_cast %get3A_1093 : vector<16xf32> to vector<1x1x1x16xf32>
        tpu.vector_store %arg5[%swap3A_1095, %swap3A_1096, %swap3A_1097, %swap3A_1098], %swap3A_1101 {strides = array<i32>} : memref<2x32x8x128xf32, #tpu.memory_space<vmem>>, vector<1x1x1x16xf32>,
        %mul3A_1102 = arith.constant 128 : i32
        %mul3A_1103 = arith.muli %mul3A_1102, %scan3A_77 : i32
        %add3A_1104 = arith.constant 28672 : i32
        %add3A_1105 = arith.addi %add3A_1104, %mul3A_1103 : i32
        %add3A_1106 = arith.addi %add3A_1105, %add3A_47 : i32
        %add3A_1107 = arith.constant 16 : i32
        %add3A_1108 = arith.addi %add3A_1106, %add3A_1107 : i32
        %get3A_1109 = arith.index_cast %add3A_1108 : i32 to index
        %get3A_1110 = tpu.vector_load %arg4[%get3A_1109] {strides = array<i32>} : memref<32896xf32, #tpu.memory_space<vmem>>, vector<16xf32>,
        %get3A_1111 = vector.shape_cast %get3A_1110 : vector<16xf32> to vector<16xf32>
        %swap3A_1112 = arith.constant 7 : i32
        %swap3A_1113 = arith.index_cast %select_n3A_63 : i32 to index
        %swap3A_1114 = arith.index_cast %scan3A_77 : i32 to index
        %swap3A_1115 = arith.index_cast %swap3A_1112 : i32 to index
        %swap3A_1116 = arith.constant 16 : index
        %swap3A_1117 = tpu.vector_load %arg5[%swap3A_1113, %swap3A_1114, %swap3A_1115, %swap3A_1116] {strides = array<i32>} : memref<2x32x8x128xf32, #tpu.memory_space<vmem>>, vector<1x1x1x16xf32>,
        %swap3A_1118 = vector.shape_cast %swap3A_1117 : vector<1x1x1x16xf32> to vector<16xf32>
        %swap3A_1119 = vector.shape_cast %get3A_1111 : vector<16xf32> to vector<1x1x1x16xf32>
        tpu.vector_store %arg5[%swap3A_1113, %swap3A_1114, %swap3A_1115, %swap3A_1116], %swap3A_1119 {strides = array<i32>} : memref<2x32x8x128xf32, #tpu.memory_space<vmem>>, vector<1x1x1x16xf32>,
        %mul3A_1120 = arith.constant 128 : i32
        %mul3A_1121 = arith.muli %mul3A_1120, %scan3A_77 : i32
        %add3A_1122 = arith.constant 28672 : i32
        %add3A_1123 = arith.addi %add3A_1122, %mul3A_1121 : i32
        %add3A_1124 = arith.addi %add3A_1123, %add3A_47 : i32
        %add3A_1125 = arith.constant 32 : i32
        %add3A_1126 = arith.addi %add3A_1124, %add3A_1125 : i32
        %get3A_1127 = arith.index_cast %add3A_1126 : i32 to index
        %get3A_1128 = tpu.vector_load %arg4[%get3A_1127] {strides = array<i32>} : memref<32896xf32, #tpu.memory_space<vmem>>, vector<16xf32>,
        %get3A_1129 = vector.shape_cast %get3A_1128 : vector<16xf32> to vector<16xf32>
        %swap3A_1130 = arith.constant 7 : i32
        %swap3A_1131 = arith.index_cast %select_n3A_63 : i32 to index
        %swap3A_1132 = arith.index_cast %scan3A_77 : i32 to index
        %swap3A_1133 = arith.index_cast %swap3A_1130 : i32 to index
        %swap3A_1134 = arith.constant 32 : index
        %swap3A_1135 = tpu.vector_load %arg5[%swap3A_1131, %swap3A_1132, %swap3A_1133, %swap3A_1134] {strides = array<i32>} : memref<2x32x8x128xf32, #tpu.memory_space<vmem>>, vector<1x1x1x16xf32>,
        %swap3A_1136 = vector.shape_cast %swap3A_1135 : vector<1x1x1x16xf32> to vector<16xf32>
        %swap3A_1137 = vector.shape_cast %get3A_1129 : vector<16xf32> to vector<1x1x1x16xf32>
        tpu.vector_store %arg5[%swap3A_1131, %swap3A_1132, %swap3A_1133, %swap3A_1134], %swap3A_1137 {strides = array<i32>} : memref<2x32x8x128xf32, #tpu.memory_space<vmem>>, vector<1x1x1x16xf32>,
        %mul3A_1138 = arith.constant 128 : i32
        %mul3A_1139 = arith.muli %mul3A_1138, %scan3A_77 : i32
        %add3A_1140 = arith.constant 28672 : i32
        %add3A_1141 = arith.addi %add3A_1140, %mul3A_1139 : i32
        %add3A_1142 = arith.addi %add3A_1141, %add3A_47 : i32
        %add3A_1143 = arith.constant 48 : i32
        %add3A_1144 = arith.addi %add3A_1142, %add3A_1143 : i32
        %get3A_1145 = arith.index_cast %add3A_1144 : i32 to index
        %get3A_1146 = tpu.vector_load %arg4[%get3A_1145] {strides = array<i32>} : memref<32896xf32, #tpu.memory_space<vmem>>, vector<16xf32>,
        %get3A_1147 = vector.shape_cast %get3A_1146 : vector<16xf32> to vector<16xf32>
        %swap3A_1148 = arith.constant 7 : i32
        %swap3A_1149 = arith.index_cast %select_n3A_63 : i32 to index
        %swap3A_1150 = arith.index_cast %scan3A_77 : i32 to index
        %swap3A_1151 = arith.index_cast %swap3A_1148 : i32 to index
        %swap3A_1152 = arith.constant 48 : index
        %swap3A_1153 = tpu.vector_load %arg5[%swap3A_1149, %swap3A_1150, %swap3A_1151, %swap3A_1152] {strides = array<i32>} : memref<2x32x8x128xf32, #tpu.memory_space<vmem>>, vector<1x1x1x16xf32>,
        %swap3A_1154 = vector.shape_cast %swap3A_1153 : vector<1x1x1x16xf32> to vector<16xf32>
        %swap3A_1155 = vector.shape_cast %get3A_1147 : vector<16xf32> to vector<1x1x1x16xf32>
        tpu.vector_store %arg5[%swap3A_1149, %swap3A_1150, %swap3A_1151, %swap3A_1152], %swap3A_1155 {strides = array<i32>} : memref<2x32x8x128xf32, #tpu.memory_space<vmem>>, vector<1x1x1x16xf32>,
        %mul3A_1156 = arith.constant 128 : i32
        %mul3A_1157 = arith.muli %mul3A_1156, %scan3A_77 : i32
        %add3A_1158 = arith.constant 28672 : i32
        %add3A_1159 = arith.addi %add3A_1158, %mul3A_1157 : i32
        %add3A_1160 = arith.addi %add3A_1159, %add3A_47 : i32
        %add3A_1161 = arith.constant 64 : i32
        %add3A_1162 = arith.addi %add3A_1160, %add3A_1161 : i32
        %get3A_1163 = arith.index_cast %add3A_1162 : i32 to index
        %get3A_1164 = tpu.vector_load %arg4[%get3A_1163] {strides = array<i32>} : memref<32896xf32, #tpu.memory_space<vmem>>, vector<16xf32>,
        %get3A_1165 = vector.shape_cast %get3A_1164 : vector<16xf32> to vector<16xf32>
        %swap3A_1166 = arith.constant 7 : i32
        %swap3A_1167 = arith.index_cast %select_n3A_63 : i32 to index
        %swap3A_1168 = arith.index_cast %scan3A_77 : i32 to index
        %swap3A_1169 = arith.index_cast %swap3A_1166 : i32 to index
        %swap3A_1170 = arith.constant 64 : index
        %swap3A_1171 = tpu.vector_load %arg5[%swap3A_1167, %swap3A_1168, %swap3A_1169, %swap3A_1170] {strides = array<i32>} : memref<2x32x8x128xf32, #tpu.memory_space<vmem>>, vector<1x1x1x16xf32>,
        %swap3A_1172 = vector.shape_cast %swap3A_1171 : vector<1x1x1x16xf32> to vector<16xf32>
        %swap3A_1173 = vector.shape_cast %get3A_1165 : vector<16xf32> to vector<1x1x1x16xf32>
        tpu.vector_store %arg5[%swap3A_1167, %swap3A_1168, %swap3A_1169, %swap3A_1170], %swap3A_1173 {strides = array<i32>} : memref<2x32x8x128xf32, #tpu.memory_space<vmem>>, vector<1x1x1x16xf32>,
        %mul3A_1174 = arith.constant 128 : i32
        %mul3A_1175 = arith.muli %mul3A_1174, %scan3A_77 : i32
        %add3A_1176 = arith.constant 28672 : i32
        %add3A_1177 = arith.addi %add3A_1176, %mul3A_1175 : i32
        %add3A_1178 = arith.addi %add3A_1177, %add3A_47 : i32
        %add3A_1179 = arith.constant 80 : i32
        %add3A_1180 = arith.addi %add3A_1178, %add3A_1179 : i32
        %get3A_1181 = arith.index_cast %add3A_1180 : i32 to index
        %get3A_1182 = tpu.vector_load %arg4[%get3A_1181] {strides = array<i32>} : memref<32896xf32, #tpu.memory_space<vmem>>, vector<16xf32>,
        %get3A_1183 = vector.shape_cast %get3A_1182 : vector<16xf32> to vector<16xf32>
        %swap3A_1184 = arith.constant 7 : i32
        %swap3A_1185 = arith.index_cast %select_n3A_63 : i32 to index
        %swap3A_1186 = arith.index_cast %scan3A_77 : i32 to index
        %swap3A_1187 = arith.index_cast %swap3A_1184 : i32 to index
        %swap3A_1188 = arith.constant 80 : index
        %swap3A_1189 = tpu.vector_load %arg5[%swap3A_1185, %swap3A_1186, %swap3A_1187, %swap3A_1188] {strides = array<i32>} : memref<2x32x8x128xf32, #tpu.memory_space<vmem>>, vector<1x1x1x16xf32>,
        %swap3A_1190 = vector.shape_cast %swap3A_1189 : vector<1x1x1x16xf32> to vector<16xf32>
        %swap3A_1191 = vector.shape_cast %get3A_1183 : vector<16xf32> to vector<1x1x1x16xf32>
        tpu.vector_store %arg5[%swap3A_1185, %swap3A_1186, %swap3A_1187, %swap3A_1188], %swap3A_1191 {strides = array<i32>} : memref<2x32x8x128xf32, #tpu.memory_space<vmem>>, vector<1x1x1x16xf32>,
        %mul3A_1192 = arith.constant 128 : i32
        %mul3A_1193 = arith.muli %mul3A_1192, %scan3A_77 : i32
        %add3A_1194 = arith.constant 28672 : i32
        %add3A_1195 = arith.addi %add3A_1194, %mul3A_1193 : i32
        %add3A_1196 = arith.addi %add3A_1195, %add3A_47 : i32
        %add3A_1197 = arith.constant 96 : i32
        %add3A_1198 = arith.addi %add3A_1196, %add3A_1197 : i32
        %get3A_1199 = arith.index_cast %add3A_1198 : i32 to index
        %get3A_1200 = tpu.vector_load %arg4[%get3A_1199] {strides = array<i32>} : memref<32896xf32, #tpu.memory_space<vmem>>, vector<16xf32>,
        %get3A_1201 = vector.shape_cast %get3A_1200 : vector<16xf32> to vector<16xf32>
        %swap3A_1202 = arith.constant 7 : i32
        %swap3A_1203 = arith.index_cast %select_n3A_63 : i32 to index
        %swap3A_1204 = arith.index_cast %scan3A_77 : i32 to index
        %swap3A_1205 = arith.index_cast %swap3A_1202 : i32 to index
        %swap3A_1206 = arith.constant 96 : index
        %swap3A_1207 = tpu.vector_load %arg5[%swap3A_1203, %swap3A_1204, %swap3A_1205, %swap3A_1206] {strides = array<i32>} : memref<2x32x8x128xf32, #tpu.memory_space<vmem>>, vector<1x1x1x16xf32>,
        %swap3A_1208 = vector.shape_cast %swap3A_1207 : vector<1x1x1x16xf32> to vector<16xf32>
        %swap3A_1209 = vector.shape_cast %get3A_1201 : vector<16xf32> to vector<1x1x1x16xf32>
        tpu.vector_store %arg5[%swap3A_1203, %swap3A_1204, %swap3A_1205, %swap3A_1206], %swap3A_1209 {strides = array<i32>} : memref<2x32x8x128xf32, #tpu.memory_space<vmem>>, vector<1x1x1x16xf32>,
        %mul3A_1210 = arith.constant 128 : i32
        %mul3A_1211 = arith.muli %mul3A_1210, %scan3A_77 : i32
        %add3A_1212 = arith.constant 28672 : i32
        %add3A_1213 = arith.addi %add3A_1212, %mul3A_1211 : i32
        %add3A_1214 = arith.addi %add3A_1213, %add3A_47 : i32
        %add3A_1215 = arith.constant 112 : i32
        %add3A_1216 = arith.addi %add3A_1214, %add3A_1215 : i32
        %get3A_1217 = arith.index_cast %add3A_1216 : i32 to index
        %get3A_1218 = tpu.vector_load %arg4[%get3A_1217] {strides = array<i32>} : memref<32896xf32, #tpu.memory_space<vmem>>, vector<16xf32>,
        %get3A_1219 = vector.shape_cast %get3A_1218 : vector<16xf32> to vector<16xf32>
        %swap3A_1220 = arith.constant 7 : i32
        %swap3A_1221 = arith.index_cast %select_n3A_63 : i32 to index
        %swap3A_1222 = arith.index_cast %scan3A_77 : i32 to index
        %swap3A_1223 = arith.index_cast %swap3A_1220 : i32 to index
        %swap3A_1224 = arith.constant 112 : index
        %swap3A_1225 = tpu.vector_load %arg5[%swap3A_1221, %swap3A_1222, %swap3A_1223, %swap3A_1224] {strides = array<i32>} : memref<2x32x8x128xf32, #tpu.memory_space<vmem>>, vector<1x1x1x16xf32>,
        %swap3A_1226 = vector.shape_cast %swap3A_1225 : vector<1x1x1x16xf32> to vector<16xf32>
        %swap3A_1227 = vector.shape_cast %get3A_1219 : vector<16xf32> to vector<1x1x1x16xf32>
        tpu.vector_store %arg5[%swap3A_1221, %swap3A_1222, %swap3A_1223, %swap3A_1224], %swap3A_1227 {strides = array<i32>} : memref<2x32x8x128xf32, #tpu.memory_space<vmem>>, vector<1x1x1x16xf32>,
      }
      %scan3A_71 = arith.constant 32 : i32
      %scan3A_72 = arith.constant 0 : i32
      %scan3A_73 = arith.constant 17 : i32
      %scan3A_74 = arith.addi %scan3A_72, %scan3A_73 : i32
      %scan3A_75 = arith.constant 1 : i32
      scf.for %scan3A_77 = %scan3A_72 to %scan3A_74 step %scan3A_75  : i32 {
        %sub3A_78 = arith.constant 2048 : i32
        %sub3A_79 = arith.subi %sub3A_78, %add3A_47 : i32
        %mul3A_80 = arith.constant 128 : i32
        %mul3A_81 = arith.muli %mul3A_80, %scan3A_77 : i32
        %sub3A_82 = arith.subi %sub3A_79, %mul3A_81 : i32
        %ge3A_83 = arith.constant 0 : i32
        %ge3A_84 = arith.cmpi sge, %sub3A_82, %ge3A_83 : i32
        %lt3A_85 = arith.constant 2048 : i32
        %lt3A_86 = arith.cmpi slt, %sub3A_82, %lt3A_85 : i32
        %and3A_87 = arith.andi %ge3A_84, %lt3A_86 : i1
        %convert_element_type3A_88 = arith.extui %and3A_87 : i1 to i32
        %cond3A_89 = arith.constant 0 : i32
        %cond3A_90 = arith.cmpi ne, %convert_element_type3A_88, %cond3A_89 : i32
        scf.if %cond3A_90 {
          %dma_start3A = arith.constant 0 : i32
          %dma_start3A_91 = arith.constant 0 : i32
          %dma_start3A_92 = tpu.memref_slice %arg5[%select_n3A_63, %scan3A_77, %dma_start3A, %dma_start3A_91] : memref<2x32x8x128xf32, #tpu.memory_space<vmem>> -> memref<1x16x8x128xf32, #tpu.memory_space<vmem>>
          %dma_start3A_93 = tpu.memref_squeeze %dma_start3A_92 : memref<1x16x8x128xf32, #tpu.memory_space<vmem>> -> memref<16x8x128xf32, #tpu.memory_space<vmem>>
          %dma_start3A_94 = arith.constant 0 : i32
          %dma_start3A_95 = arith.constant 0 : i32
          %dma_start3A_96 = arith.constant 0 : i32
          %dma_start3A_97 = tpu.memref_slice %arg3[%sub3A_82, %select_n3A, %dma_start3A_94, %dma_start3A_95, %dma_start3A_96] : memref<2048x8x16x8x128xf32, #tpu.memory_space<hbm>> -> memref<1x1x16x8x128xf32, #tpu.memory_space<hbm>>
          %dma_start3A_98 = tpu.memref_squeeze %dma_start3A_97 : memref<1x1x16x8x128xf32, #tpu.memory_space<hbm>> -> memref<16x8x128xf32, #tpu.memory_space<hbm>>
          %dma_start3A_99 = arith.constant 0 : i32
          %dma_start3A_100 = arith.constant 0 : i32
          %dma_start3A_101 = arith.constant 0 : i32
          %dma_start3A_102 = tpu.memref_slice %arg3[%sub3A_82, %select_n3A, %dma_start3A_99, %dma_start3A_100, %dma_start3A_101] : memref<2048x8x16x8x128xf32, #tpu.memory_space<hbm>> -> memref<1x1x16x8x128xf32, #tpu.memory_space<hbm>>
          %dma_start3A_103 = tpu.memref_squeeze %dma_start3A_102 : memref<1x1x16x8x128xf32, #tpu.memory_space<hbm>> -> memref<16x8x128xf32, #tpu.memory_space<hbm>>
          %dma_start3A_104 = arith.constant 0 : i32
          %dma_start3A_105 = arith.constant 0 : i32
          %dma_start3A_106 = tpu.memref_slice %arg5[%select_n3A_63, %scan3A_77, %dma_start3A_104, %dma_start3A_105] : memref<2x32x8x128xf32, #tpu.memory_space<vmem>> -> memref<1x16x8x128xf32, #tpu.memory_space<vmem>>
          %dma_start3A_107 = tpu.memref_squeeze %dma_start3A_106 : memref<1x16x8x128xf32, #tpu.memory_space<vmem>> -> memref<16x8x128xf32, #tpu.memory_space<vmem>>
          tpu.enqueue_dma source(%dma_start3A_107 : memref<16x8x128xf32, #tpu.memory_space<vmem>>) target(%dma_start3A_103 : memref<16x8x128xf32, #tpu.memory_space<hbm>>) target_semaphore(%arg6 : memref<!tpu.dma_semaphore, #tpu.memory_space<semaphore_mem>>)
        } else {
        }
      }
      %scan3A_76 = arith.constant 17 : i32
    }
    %scan3A_39 = arith.constant 32 : i32
    %scan3A_40 = arith.constant 0 : i32
    %scan3A_41 = arith.constant 0 : i32
    %scan3A_42 = arith.constant 32 : i32
    %scan3A_43 = arith.addi %scan3A_41, %scan3A_42 : i32
    %scan3A_44 = arith.constant 1 : i32
    scf.for %scan3A_46 = %scan3A_41 to %scan3A_43 step %scan3A_44  : i32 {
      %dma_wait3A = arith.constant 0 : i32
      %dma_wait3A_47 = arith.constant 0 : i32
      %dma_wait3A_48 = arith.constant 0 : i32
      %dma_wait3A_49 = arith.constant 0 : i32
      %dma_wait3A_50 = arith.constant 0 : i32
      %dma_wait3A_51 = arith.constant 0 : i32
      %dma_wait3A_52 = tpu.memref_slice %arg5[%dma_wait3A, %dma_wait3A_49, %dma_wait3A_50, %dma_wait3A_51] : memref<2x32x8x128xf32, #tpu.memory_space<vmem>> -> memref<1x16x8x128xf32, #tpu.memory_space<vmem>>
      %dma_wait3A_53 = tpu.memref_squeeze %dma_wait3A_52 : memref<1x16x8x128xf32, #tpu.memory_space<vmem>> -> memref<16x8x128xf32, #tpu.memory_space<vmem>>
      %dma_wait3A_54 = arith.constant 0 : i32
      %dma_wait3A_55 = arith.constant 0 : i32
      %dma_wait3A_56 = arith.constant 0 : i32
      %dma_wait3A_57 = tpu.memref_slice %arg3[%dma_wait3A_47, %dma_wait3A_48, %dma_wait3A_54, %dma_wait3A_55, %dma_wait3A_56] : memref<2048x8x16x8x128xf32, #tpu.memory_space<hbm>> -> memref<1x1x16x8x128xf32, #tpu.memory_space<hbm>>
      %dma_wait3A_58 = tpu.memref_squeeze %dma_wait3A_57 : memref<1x1x16x8x128xf32, #tpu.memory_space<hbm>> -> memref<16x8x128xf32, #tpu.memory_space<hbm>>
      %dma_wait3A_59 = arith.constant 0 : i32
      %dma_wait3A_60 = arith.constant 0 : i32
      %dma_wait3A_61 = arith.constant 0 : i32
      %dma_wait3A_62 = tpu.memref_slice %arg3[%dma_wait3A_47, %dma_wait3A_48, %dma_wait3A_59, %dma_wait3A_60, %dma_wait3A_61] : memref<2048x8x16x8x128xf32, #tpu.memory_space<hbm>> -> memref<1x1x16x8x128xf32, #tpu.memory_space<hbm>>
      %dma_wait3A_63 = tpu.memref_squeeze %dma_wait3A_62 : memref<1x1x16x8x128xf32, #tpu.memory_space<hbm>> -> memref<16x8x128xf32, #tpu.memory_space<hbm>>
      %dma_wait3A_64 = arith.constant 0 : i32
      %dma_wait3A_65 = arith.constant 0 : i32
      %dma_wait3A_66 = arith.constant 0 : i32
      %dma_wait3A_67 = tpu.memref_slice %arg5[%dma_wait3A, %dma_wait3A_64, %dma_wait3A_65, %dma_wait3A_66] : memref<2x32x8x128xf32, #tpu.memory_space<vmem>> -> memref<1x16x8x128xf32, #tpu.memory_space<vmem>>
      %dma_wait3A_68 = tpu.memref_squeeze %dma_wait3A_67 : memref<1x16x8x128xf32, #tpu.memory_space<vmem>> -> memref<16x8x128xf32, #tpu.memory_space<vmem>>
      tpu.wait_dma2 semaphore(%arg6 : memref<!tpu.dma_semaphore, #tpu.memory_space<semaphore_mem>>) src(%dma_wait3A_68 : memref<16x8x128xf32, #tpu.memory_space<vmem>>) dst(%dma_wait3A_63 : memref<16x8x128xf32, #tpu.memory_space<hbm>>)
    }
    %scan3A_45 = arith.constant 32 : i32
    return
  }
}

</mosaic_0001>

<sc_bundles>
// kernel: kernel.3.cloned.1.call-start
scs
__scs_entry_jumppad:
0x0: {  	(pc) =	sbr.rel $0x88, $3  }
0x1: {  	(tag) =	ssettag $0x0;
	lr =	simm.s32 $0x1  }
0x2: {  	[smem:$0x3FA0] =	sst lr;
	_ =	strace $0xD0000000  }
0x3: {  	_ = 	snop  }
0x4: {  	_ = 	snop  }
0x5: {  	_ = 	snop  }
0x6: {  	_ = 	snop  }
0x7: {  	_ = 	snop  }
__scs_overlays_trampoline_lowered:
0x8: {  	[smem:$0x3FAF] =	sst s0  }
0x9: {  	[smem:$0x3FB0] =	sst s1  }
0xa: {  	[smem:$0x3FB1] =	sst s2  }
0xb: {  	[smem:$0x3FB2] =	sst s3  }
0xc: {  	[smem:$0x3FB3] =	sst s4  }
0xd: {  	[smem:$0x3FB4] =	sst s5  }
0xe: {  	[smem:$0x3FB5] =	sst s6  }
0xf: {  	[smem:$0x3FB6] =	sst s7  }
0x10: {  	[smem:$0x3FB7] =	sst s8  }
0x11: {  	[smem:$0x3FB8] =	sst s9;
	s0 =	simm.s32 @!p0 $0x0  }
0x12: {  	s1 =	sld [smem:$0x3F9E];
	s0 =	simm.s32 @p0 $0x1  }
0x13: {  	[smem:$0x3FB9] =	sst s0;
	s0 =	simm.s32 @!p1 $0x0  }
0x14: {  	s2 =	sld [smem:$0x3F9D];
	s0 =	simm.s32 @p1 $0x1  }
0x15: {  	[smem:$0x3FBA] =	sst s0;
	s0 =	simm.s32 @!p2 $0x0  }
0x16: {  	s3 =	sld [smem:$0x3FDB];
	s0 =	simm.s32 @p2 $0x1  }
0x17: {  	s4 =	simm.s32 $0x1BF5;
	[smem:$0x3FBC] =	sst s0  }
0x18: {  	s0 =	sld [smem:$0x3F9F];
	_ =	swait.ge [sflag:s4], $0x0  }
0x19: {  	s7 =	sld [smem:$0x3FA0]  }
0x1a: {  	s8 =	sadd.s32 $0xFFFFE003, lr  }
0x1b: {  	s9 =	sadd.s32 $0xFFFFFEF7, lr;
	s5 =	simm.s32 $0xFFFFFFFF;
	p2 =	slt.u32 s8, $0xFFFFF086  }
0x1c: {  	p1 =	slt.u32 s9, $0xF7A;
	s5 =	simm.s32 @!p2 $0x0  }
0x1d: {  	s5 =	simm.s32 @p1 $0x1;
	p0 =	seq.s32 s7, s2  }
0x1e: {  	s7 =	smul.u32 @!p0 $0xF7A, s2;
	p2 =	seq.s32 @!p0 s5, $0x0  }
0x1f: {  	s9 =	smul.u32 $0xF7A, s1;
	s8 =	simm.s32 @!p0 $0x1BF5;
	p2 =	por !p2, p0  }
0x20: {  	[sflag:s8] =	ssyncset.s32 @!p0 $0xFFFFF086;
	s6 =	sadd.s32 @!p0 s3, s7;
	s7 =	simm.s32 @!p0 $0x108  }
0x21: {  	s3 =	sadd.s32 s3, s9;
	s6 =	sadd.s32 @!p0 $0x88, s6;
	s7 =	simm.s32 @p2 $0x1082  }
0x22: {  	[simem:s7], [sflag:s8] =	dma.local @!p0 [hbm:s6], $0xF7A  }
0x23: {  	s9 =	sor.u32 $0xD0000000, s2;
	s6 =	simm.s32 $0x108;
	_ =	swait.ge @!p0 [sflag:s8], $0x0  }
0x24: {  	s3 =	sadd.s32 $0x88, s3;
	s6 =	simm.s32 @!p1 $0x1082;
	[sflag:s4] =	ssyncset.s32 $0xFFFFF086  }
0x25: {  	[simem:s6], [sflag:s4] =	dma.local [hbm:s3], $0xF7A  }
0x26: {  	[smem:$0x3FA0] =	sst s1;
	(tag) =	ssettag s2;
	_ =	strace s9  }
0x27: {  	s1 =	sld [smem:$0x3FB0]  }
0x28: {  	s2 =	sld [smem:$0x3FB1]  }
0x29: {  	s4 =	sld [smem:$0x3FB3]  }
0x2a: {  	p0 =	seq.s32 s5, $0x0;
	s5 =	sld [smem:$0x3FB4]  }
0x2b: {  	s6 =	sld [smem:$0x3FB5]  }
0x2c: {  	s7 =	sld [smem:$0x3FB6]  }
0x2d: {  	s3 =	simm.s32 $0x108;
	s8 =	sld [smem:$0x3FB7]  }
0x2e: {  	s3 =	simm.s32 @!p0 $0x1082;
	s9 =	sld [smem:$0x3FB8]  }
0x2f: {  	lr =	sadd.s32 s0, s3;
	s0 =	sld [smem:$0x3FAF]  }
0x30: {  	s3 =	sld [smem:$0x3FB2]  }
0x31: {  	[smem:$0x3FBB] =	sst s10  }
0x32: {  	s10 =	sld [smem:$0x3FB9];
	_ =	sdelay $0x3  }
0x33: {  	p0 =	seq.s32 s10, $0x1;
	s10 =	sld [smem:$0x3FBB];
	_ =	sdelay $0x3  }
0x34: {  	[smem:$0x3FBB] =	sst s10  }
0x35: {  	s10 =	sld [smem:$0x3FBA];
	_ =	sdelay $0x3  }
0x36: {  	p1 =	seq.s32 s10, $0x1;
	s10 =	sld [smem:$0x3FBB];
	_ =	sdelay $0x3  }
0x37: {  	[smem:$0x3FBB] =	sst s10  }
0x38: {  	s10 =	sld [smem:$0x3FBC]  }
0x39: {  	_ = 	snop;
	(pc) =	sbr.ind lr, $3  }
0x3a: {  	_ = 	snop  }
0x3b: {  	_ = 	snop  }
0x3c: {  	p2 =	seq.s32 s10, $0x1;
	s10 =	sld [smem:$0x3FBB]  }
0x3d: {  	_ =	shalt  }
0x3e: {  	_ =	shalt  }
0x3f: {  	_ =	shalt  }
0x40: {  	_ =	shalt  }
0x41: {  	_ =	shalt  }
0x42: {  	_ =	shalt  }
0x43: {  	_ =	shalt  }
0x44: {  	_ =	shalt  }
0x45: {  	_ =	shalt  }
0x46: {  	_ =	shalt  }
0x47: {  	_ =	shalt  }
0x48: {  	_ =	shalt  }
0x49: {  	_ =	shalt  }
0x4a: {  	_ =	shalt  }
0x4b: {  	_ =	shalt  }
0x4c: {  	_ =	shalt  }
0x4d: {  	_ =	shalt  }
0x4e: {  	_ =	shalt  }
0x4f: {  	_ =	shalt  }
0x50: {  	_ =	shalt  }
0x51: {  	_ =	shalt  }
0x52: {  	_ =	shalt  }
0x53: {  	_ =	shalt  }
0x54: {  	_ =	shalt  }
0x55: {  	_ =	shalt  }
0x56: {  	_ =	shalt  }
0x57: {  	_ =	shalt  }
0x58: {  	_ =	shalt  }
0x59: {  	_ =	shalt  }
0x5a: {  	_ =	shalt  }
0x5b: {  	_ =	shalt  }
0x5c: {  	_ =	shalt  }
0x5d: {  	_ =	shalt  }
0x5e: {  	_ =	shalt  }
0x5f: {  	_ =	shalt  }
0x60: {  	_ =	shalt  }
0x61: {  	_ =	shalt  }
0x62: {  	_ =	shalt  }
0x63: {  	_ =	shalt  }
0x64: {  	_ =	shalt  }
0x65: {  	_ =	shalt  }
0x66: {  	_ =	shalt  }
0x67: {  	_ =	shalt  }
0x68: {  	_ =	shalt  }
0x69: {  	_ =	shalt  }
0x6a: {  	_ =	shalt  }
0x6b: {  	_ =	shalt  }
0x6c: {  	_ =	shalt  }
0x6d: {  	_ =	shalt  }
0x6e: {  	_ =	shalt  }
0x6f: {  	_ =	shalt  }
0x70: {  	_ =	shalt  }
0x71: {  	_ =	shalt  }
0x72: {  	_ =	shalt  }
0x73: {  	_ =	shalt  }
0x74: {  	_ =	shalt  }
0x75: {  	_ =	shalt  }
0x76: {  	_ =	shalt  }
0x77: {  	_ =	shalt  }
0x78: {  	_ =	shalt  }
0x79: {  	_ =	shalt  }
0x7a: {  	_ =	shalt  }
0x7b: {  	_ =	shalt  }
0x7c: {  	_ =	shalt  }
0x7d: {  	_ =	shalt  }
0x7e: {  	_ =	shalt  }
0x7f: {  	_ =	shalt  }
0x80: {  	_ =	shalt  }
0x81: {  	_ =	shalt  }
0x82: {  	_ =	shalt  }
0x83: {  	_ =	shalt  }
0x84: {  	_ =	shalt  }
0x85: {  	_ =	shalt  }
0x86: {  	_ =	shalt  }
0x87: {  	_ =	shalt  }
.Lfunc_end0:
.L_simem_size_0:
called_computation_lowered:
.L_overlay_start_0:
0x88: {  	s2 =	sld [smem:$0x3FD9]  }
0x89: {  	s3 =	sld [smem:$0x3FFE];
	_ =	sdelay $0x1  }
0x8a: {  	s1 =	srdreg.scid  }
0x8b: {  	s0 =	sand.u32 $0x1, s1  }
0x8c: {  	s17 =	sshll.u32 s0, $0xA;
	s2 =	sadd.s32 s3, s2  }
0x8d: {  	s2 =	sadd.s32 s2, s17  }
0x8e: {  	[smem:$0x3FC7] =	sst s2  }
0x8f: {  	_ = 	snop  }
0x90: {  	s2 =	sld [smem:$0x3FD0];
	(tm) =	ssettm $0x1  }
0x91: {  	s18 =	sld [smem:$0x3FFB];
	_ =	sdelay $0x3  }
0x92: {  	_ =	strace s18  }
0x93: {  	s3 =	sld [smem:$0x3FFC];
	_ =	sdelay $0x3  }
0x94: {  	_ =	strace s3  }
0x95: {  	s3 =	sld [smem:$0x3FFD];
	_ =	sdelay $0x3  }
0x96: {  	_ =	strace s3  }
0x97: {  	_ =	strace $0x8FFFFFFF  }
0x98: {  	s19 =	sld [smem:$0x3FDB];
	_ =	sdelay $0x1  }
0x99: {  	s4 =	simm.s32 $_scs_section_size  }
0x9a: {  	s5 =	simm.s32 $_size__tile_overlayer_lowered;
	s6 =	simm.s32 $_tile_overlayer_lowered  }
0x9b: {  	s22 =	simm.s32 $0x1BFF;
	s21 =	sshll.u32 s6, $0x1;
	s3 =	sadd.s32 s4, s19  }
0x9c: {  	s7 =	simm.s32 $0x0;
	s20 =	sshll.u32 s5, $0x1;
	s5 =	sadd.s32 s21, s3  }
0x9d: {  	[timem:s7], [sflag:s22] =	dma.local [hbm:s5], s20  }
0x9e: {  	_ =	swait.ge [sflag:s22], s20  }
0x9f: {  	s4 =	ssub.s32 $0x0, s20;
	[sflag:s22] =	ssyncset.done $0x0  }
0xa0: {  	[sflag:s22] =	ssyncadd.s32 s4;
	_ =	sdelay $0x1  }
0xa1: {  	s23 =	simm.s32 $0x1B8B  }
0xa2: {  	_ =	swait.ge [sflag:s23], $0x1  }
0xa3: {  	[sflag:s23] =	ssyncset.done $0x0  }
0xa4: {  	s25 =	simm.s32 $0x1B8E;
	s24 =	sld [smem:$0x3FFE];
	[sflag:s23] =	ssyncadd.s32 $0xFFFFFFFF  }
0xa5: {  	s26 =	simm.s32 $execute0_lowered;
	[smem:$0x3FD2] =	sst s25  }
0xa6: {  	s5 =	sshll.u32 s26, $0x1;
	_ =	strace $0x80000046;
	[dreg:$0x1] =	wrdreg $0xFFFFFFFF  }
0xa7: {  	s28 =	simm.s32 $_size_execute0_lowered;
	s3 =	sadd.s32 s3, s5;
	[dreg:$0x0] =	wrdreg $0x0  }
0xa8: {  	s5 =	sshll.u32 s28, $0x1;
	[dreg:$0x2] =	wrdreg s3  }
0xa9: {  	[dreg:$0x3] =	wrdreg s5  }
0xaa: {  	[dreg:$0x4] =	wrdreg $0xC0  }
0xab: {  	_ =	task [dreg:s7], $0x5FFFF  }
0xac: {  	[dreg:$0x1] =	wrdreg $0xFFFFFFFF  }
0xad: {  	[dreg:$0x0] =	wrdreg $0x60  }
0xae: {  	[dreg:$0x2] =	wrdreg s24  }
0xaf: {  	[dreg:$0x3] =	wrdreg s2  }
0xb0: {  	[dreg:$0x4] =	wrdreg $0x9  }
0xb1: {  	_ =	task.clear_ibuf [dreg:s7], $0x5FFFF;
	_ =	strace $0x90000046  }
0xb2: {  	s29 =	simm.s32 $0x9;
	_ =	strace $0x80000048  }
0xb3: {  	_ =	swait.ge [sflag:s29], $0x1  }
0xb4: {  	[sflag:s29] =	ssyncadd.s32 $0xFFFFFFFF  }
0xb5: {  	_ =	strace $0x90000048  }
0xb6: {  	_ =	sfence  }
0xb7: {  	s30 =	sld [smem:$0x0];
	_ =	sdelay $0x2  }
0xb8: {  	s31 =	sshll.u32 s1, $0xD;
	s1 =	sshrl.u32 s1, $0x2  }
0xb9: {  	s3 =	sand.u32 $0x4000, s31;
	s1 =	sadd.s32 s1, s30  }
0xba: {  	s0 =	sor.u32 s3, s0;
	s1 =	sshll.u32 s1, $0x11  }
0xbb: {  	s0 =	sor.u32 s1, s0  }
0xbc: {  	s0 =	sadd.s32 $0x8F2B, s0  }
0xbd: {  	[sflag:s0] =	ssyncadd.remote.s32 $0x1  }
0xbe: {  	_ =	sfence.sel $0xFFFF  }
0xbf: {  	[dreg:$0x0] =	wrdreg $0xFFFFFFFF;
	(pc) =	sbr.abs _section_cstart, $3  }
0xc0: {  	[dreg:$0x1] =	wrdreg $0xFFFFFFFF  }
0xc1: {  	_ =	task.clear_ibuf [dreg:s7], $0x2FFFF;
	_ =	strace $0x9FFFFFFF  }
0xc2: {  	(tm) =	ssettm $0x7FFFFFFF  }
0xc3: {  	_ =	shalt  }
tec
execute0_lowered:
.L_overlay_start_1:
0x0: {  	(tag) =	ssettag $0x1  }
0x1: {  	s3 =	rddreg [dreg:$0x0]  }
0x2: {  	s5 =	rddreg [dreg:$0x1];
	s2 =	srdreg.scid  }
0x3: {  	s0 =	rddreg [dreg:$0x2];
	s1 =	stileid.u32;
	s6 =	sand.u32 $0x1, s2  }
0x4: {  	s2 =	simm.s32 $0x0;
	s4 =	sshrl.u32 s1, $0x1;
	s28 =	sand.u32 $0x1, s1  }
0x5: {  	s7 =	ssub.s32 $0x2, s6;
	[smem:$0x7FF] =	sst s2;
	s8 =	sshll.u32 s4, $0xC  }
0x6: {  	s26 =	sshll.u32 s4, $0xB;
	s29 =	sshll.u32 s6, $0x13;
	s30 =	sshll.u32 s28, $0x8  }
0x7: {  	s10 =	sshll.u32 s6, $0x7;
	s31 =	sshll.u32 s28, $0x14;
	s6 =	sshll.u32 s6, $0x5  }
0x8: {  	s9 =	sshrl.u32 s7, $0x1;
	_ =	strace $0x80000047;
	s3 =	sadd.s32 s8, s3  }
0x9: {  	s5 =	sadd.s32 s26, s5;
	s7 =	ssub.s32 s7, s9;
	s3 =	sadd.s32 $0x400, s3  }
0xa: {  	s5 =	ssub.s32 s5, s29;
	s9 =	sor.u32 s10, s30;
	s10 =	simm.s32 $0x0  }
0xb: {  	s4 =	smax.u32 s7, $0x1;
	s7 =	sshll.u32 s28, $0x6;
	s8 =	ssub.s32 s5, s31  }
0xc: {  	s5 =	sshrl.u32 s9, $0x2;
	s9 =	simm.s32 $0x1;
	s7 =	sor.u32 s7, s6  }
0xd: {  	s6 =	sadd.s32 $0x2000000, s8;
	s8 =	simm.s32 $0x2;
	s7 =	ssub.s32 $0x0, s7  }
.LBB2_1:
0xe: {  	[tilespmem:s2], [sflag:$0x2] =	stream.linear.gather [hbm4b:s3+s2], $0x8000, $0x38;
	[tilespmem:$0x18080] =	vst v63  }
0xf: {  	p0 =	por $0x0, $0x0;
	_ =	swait.ge [sflag:s8], $0x8000  }
0x10: {  	s11 =	smov.u32 s7;
	s12 =	smov.u32 s6;
	[sflag:s8] =	ssyncset.done $0x0  }
0x11: {  	s13 =	smov.u32 s5;
	s14 =	simm.s32 $0x0;
	[sflag:s8] =	ssyncadd.s32 $0xFFFF8000  }
.LBB2_2:
0x12: {  	p1 =	slt.u32 s14, $0x2  }
0x13: {  	s15 =	simm.s32 @!p1 $0x1  }
0x14: {  	_ =	swait.ge @!p1 [sflag:s15], $0x4000  }
0x15: {  	[sflag:s15] =	ssyncset.done @!p1 $0x0  }
0x16: {  	[sflag:s15] =	ssyncadd.s32 @!p1 $0xFFFFC000  }
0x17: {  	_ =	swait.ge @!p1 [sflag:s15], $0x4000  }
0x18: {  	[sflag:s15] =	ssyncset.done @!p1 $0x0  }
0x19: {  	[sflag:s15] =	ssyncadd.s32 @!p1 $0xFFFFC000  }
0x1a: {  	_ =	swait.ge @!p1 [sflag:s15], $0x4000  }
0x1b: {  	[sflag:s15] =	ssyncset.done @!p1 $0x0  }
0x1c: {  	[sflag:s15] =	ssyncadd.s32 @!p1 $0xFFFFC000  }
0x1d: {  	_ =	swait.ge @!p1 [sflag:s15], $0x4000  }
0x1e: {  	[sflag:s15] =	ssyncset.done @!p1 $0x0  }
0x1f: {  	[sflag:s15] =	ssyncadd.s32 @!p1 $0xFFFFC000  }
0x20: {  	_ =	swait.ge @!p1 [sflag:s15], $0x4000  }
0x21: {  	[sflag:s15] =	ssyncset.done @!p1 $0x0  }
0x22: {  	[sflag:s15] =	ssyncadd.s32 @!p1 $0xFFFFC000  }
0x23: {  	_ =	swait.ge @!p1 [sflag:s15], $0x4000  }
0x24: {  	[sflag:s15] =	ssyncset.done @!p1 $0x0  }
0x25: {  	[sflag:s15] =	ssyncadd.s32 @!p1 $0xFFFFC000  }
0x26: {  	_ =	swait.ge @!p1 [sflag:s15], $0x4000  }
0x27: {  	[sflag:s15] =	ssyncset.done @!p1 $0x0  }
0x28: {  	[sflag:s15] =	ssyncadd.s32 @!p1 $0xFFFFC000  }
0x29: {  	_ =	swait.ge @!p1 [sflag:s15], $0x4000  }
0x2a: {  	[sflag:s15] =	ssyncset.done @!p1 $0x0  }
0x2b: {  	[sflag:s15] =	ssyncadd.s32 @!p1 $0xFFFFC000  }
0x2c: {  	_ =	swait.ge @!p1 [sflag:s15], $0x4000  }
0x2d: {  	[sflag:s15] =	ssyncset.done @!p1 $0x0  }
0x2e: {  	[sflag:s15] =	ssyncadd.s32 @!p1 $0xFFFFC000  }
0x2f: {  	_ =	swait.ge @!p1 [sflag:s15], $0x4000  }
0x30: {  	[sflag:s15] =	ssyncset.done @!p1 $0x0  }
0x31: {  	[sflag:s15] =	ssyncadd.s32 @!p1 $0xFFFFC000  }
0x32: {  	_ =	swait.ge @!p1 [sflag:s15], $0x4000  }
0x33: {  	[sflag:s15] =	ssyncset.done @!p1 $0x0  }
0x34: {  	[sflag:s15] =	ssyncadd.s32 @!p1 $0xFFFFC000  }
0x35: {  	_ =	swait.ge @!p1 [sflag:s15], $0x4000  }
0x36: {  	[sflag:s15] =	ssyncset.done @!p1 $0x0  }
0x37: {  	[sflag:s15] =	ssyncadd.s32 @!p1 $0xFFFFC000  }
0x38: {  	_ =	swait.ge @!p1 [sflag:s15], $0x4000  }
0x39: {  	[sflag:s15] =	ssyncset.done @!p1 $0x0  }
0x3a: {  	[sflag:s15] =	ssyncadd.s32 @!p1 $0xFFFFC000  }
0x3b: {  	_ =	swait.ge @!p1 [sflag:s15], $0x4000  }
0x3c: {  	[sflag:s15] =	ssyncset.done @!p1 $0x0  }
0x3d: {  	[sflag:s15] =	ssyncadd.s32 @!p1 $0xFFFFC000  }
0x3e: {  	_ =	swait.ge @!p1 [sflag:s15], $0x4000  }
0x3f: {  	v0 =	vmov s13;
	[sflag:s15] =	ssyncset.done @!p1 $0x0  }
0x40: {  	[sflag:s15] =	ssyncadd.s32 @!p1 $0xFFFFC000  }
0x41: {  	_ =	swait.ge @!p1 [sflag:s15], $0x4000  }
0x42: {  	[sflag:s15] =	ssyncset.done @!p1 $0x0  }
0x43: {  	s31 =	simm.s32 $0x0;
	[sflag:s15] =	ssyncadd.s32 @!p1 $0xFFFFC000  }
0x44: {  	v1 =	vld.idx.msk [tilespmem:v0+s31+$0x0 ss:$0x1], $0xffff  }
0x45: {  	s16 =	simm.s32 $0x1  }
0x46: {  	s16 =	simm.s32 @!p0 $0x0  }
0x47: {  	s17 =	sshll.u32 s16, $0xF  }
0x48: {  	s16 =	sadd.s32 $0x8280, s17  }
0x49: {  	[tilespmem:s16+$0xFFFFFE00] =	vst v1  }
0x4a: {  	v1 =	vld.idx.msk [tilespmem:v0+s31+$0x10 ss:$0x1], $0xffff;
	_ =	sdelay $0x4  }
0x4b: {  	[tilespmem:s16+$0xFFFFFE10] =	vst v1  }
0x4c: {  	v1 =	vld.idx.msk [tilespmem:v0+s31+$0x20 ss:$0x1], $0xffff;
	_ =	sdelay $0x4  }
0x4d: {  	[tilespmem:s16+$0xFFFFFE20] =	vst v1  }
0x4e: {  	v1 =	vld.idx.msk [tilespmem:v0+s31+$0x30 ss:$0x1], $0xffff;
	_ =	sdelay $0x4  }
0x4f: {  	[tilespmem:s16+$0xFFFFFE30] =	vst v1  }
0x50: {  	v1 =	vld.idx.msk [tilespmem:v0+s31+$0x40 ss:$0x1], $0xffff;
	_ =	sdelay $0x4  }
0x51: {  	[tilespmem:s16+$0xFFFFFE40] =	vst v1  }
0x52: {  	v1 =	vld.idx.msk [tilespmem:v0+s31+$0x50 ss:$0x1], $0xffff;
	_ =	sdelay $0x4  }
0x53: {  	[tilespmem:s16+$0xFFFFFE50] =	vst v1  }
0x54: {  	v1 =	vld.idx.msk [tilespmem:v0+s31+$0x60 ss:$0x1], $0xffff;
	_ =	sdelay $0x4  }
0x55: {  	[tilespmem:s16+$0xFFFFFE60] =	vst v1  }
0x56: {  	v1 =	vld.idx.msk [tilespmem:v0+s31+$0x70 ss:$0x1], $0xffff;
	_ =	sdelay $0x4  }
0x57: {  	[tilespmem:s16+$0xFFFFFE70] =	vst v1  }
0x58: {  	v1 =	vld.idx.msk [tilespmem:v0+s31+$0x1000 ss:$0x1], $0xffff;
	_ =	sdelay $0x4  }
0x59: {  	[tilespmem:s16+$0xFFFFFE80] =	vst v1  }
0x5a: {  	v1 =	vld.idx.msk [tilespmem:v0+s31+$0x1010 ss:$0x1], $0xffff;
	_ =	sdelay $0x4  }
0x5b: {  	[tilespmem:s16+$0xFFFFFE90] =	vst v1  }
0x5c: {  	v1 =	vld.idx.msk [tilespmem:v0+s31+$0x1020 ss:$0x1], $0xffff;
	_ =	sdelay $0x4  }
0x5d: {  	[tilespmem:s16+$0xFFFFFEA0] =	vst v1  }
0x5e: {  	v1 =	vld.idx.msk [tilespmem:v0+s31+$0x1030 ss:$0x1], $0xffff;
	_ =	sdelay $0x4  }
0x5f: {  	[tilespmem:s16+$0xFFFFFEB0] =	vst v1  }
0x60: {  	v1 =	vld.idx.msk [tilespmem:v0+s31+$0x1040 ss:$0x1], $0xffff;
	_ =	sdelay $0x4  }
0x61: {  	[tilespmem:s16+$0xFFFFFEC0] =	vst v1  }
0x62: {  	v1 =	vld.idx.msk [tilespmem:v0+s31+$0x1050 ss:$0x1], $0xffff;
	_ =	sdelay $0x4  }
0x63: {  	[tilespmem:s16+$0xFFFFFED0] =	vst v1  }
0x64: {  	v1 =	vld.idx.msk [tilespmem:v0+s31+$0x1060 ss:$0x1], $0xffff;
	_ =	sdelay $0x4  }
0x65: {  	[tilespmem:s16+$0xFFFFFEE0] =	vst v1  }
0x66: {  	v1 =	vld.idx.msk [tilespmem:v0+s31+$0x1070 ss:$0x1], $0xffff;
	_ =	sdelay $0x4  }
0x67: {  	[tilespmem:s16+$0xFFFFFEF0] =	vst v1  }
0x68: {  	v1 =	vld.idx.msk [tilespmem:v0+s31+$0x2000 ss:$0x1], $0xffff;
	_ =	sdelay $0x4  }
0x69: {  	[tilespmem:s16+$0xFFFFFF00] =	vst v1  }
0x6a: {  	v1 =	vld.idx.msk [tilespmem:v0+s31+$0x2010 ss:$0x1], $0xffff;
	_ =	sdelay $0x4  }
0x6b: {  	[tilespmem:s16+$0xFFFFFF10] =	vst v1  }
0x6c: {  	v1 =	vld.idx.msk [tilespmem:v0+s31+$0x2020 ss:$0x1], $0xffff;
	_ =	sdelay $0x4  }
0x6d: {  	[tilespmem:s16+$0xFFFFFF20] =	vst v1  }
0x6e: {  	v1 =	vld.idx.msk [tilespmem:v0+s31+$0x2030 ss:$0x1], $0xffff;
	_ =	sdelay $0x4  }
0x6f: {  	[tilespmem:s16+$0xFFFFFF30] =	vst v1  }
0x70: {  	v1 =	vld.idx.msk [tilespmem:v0+s31+$0x2040 ss:$0x1], $0xffff;
	_ =	sdelay $0x4  }
0x71: {  	[tilespmem:s16+$0xFFFFFF40] =	vst v1  }
0x72: {  	v1 =	vld.idx.msk [tilespmem:v0+s31+$0x2050 ss:$0x1], $0xffff;
	_ =	sdelay $0x4  }
0x73: {  	[tilespmem:s16+$0xFFFFFF50] =	vst v1  }
0x74: {  	v1 =	vld.idx.msk [tilespmem:v0+s31+$0x2060 ss:$0x1], $0xffff;
	_ =	sdelay $0x4  }
0x75: {  	[tilespmem:s16+$0xFFFFFF60] =	vst v1  }
0x76: {  	v1 =	vld.idx.msk [tilespmem:v0+s31+$0x2070 ss:$0x1], $0xffff;
	_ =	sdelay $0x4  }
0x77: {  	[tilespmem:s16+$0xFFFFFF70] =	vst v1  }
0x78: {  	v1 =	vld.idx.msk [tilespmem:v0+s31+$0x3000 ss:$0x1], $0xffff;
	_ =	sdelay $0x4  }
0x79: {  	[tilespmem:s16+$0xFFFFFF80] =	vst v1  }
0x7a: {  	v1 =	vld.idx.msk [tilespmem:v0+s31+$0x3010 ss:$0x1], $0xffff;
	_ =	sdelay $0x4  }
0x7b: {  	[tilespmem:s16+$0xFFFFFF90] =	vst v1  }
0x7c: {  	v1 =	vld.idx.msk [tilespmem:v0+s31+$0x3020 ss:$0x1], $0xffff;
	_ =	sdelay $0x4  }
0x7d: {  	[tilespmem:s16+$0xFFFFFFA0] =	vst v1  }
0x7e: {  	v1 =	vld.idx.msk [tilespmem:v0+s31+$0x3030 ss:$0x1], $0xffff;
	_ =	sdelay $0x4  }
0x7f: {  	[tilespmem:s16+$0xFFFFFFB0] =	vst v1  }
0x80: {  	v1 =	vld.idx.msk [tilespmem:v0+s31+$0x3040 ss:$0x1], $0xffff;
	_ =	sdelay $0x4  }
0x81: {  	[tilespmem:s16+$0xFFFFFFC0] =	vst v1  }
0x82: {  	v1 =	vld.idx.msk [tilespmem:v0+s31+$0x3050 ss:$0x1], $0xffff;
	_ =	sdelay $0x4  }
0x83: {  	[tilespmem:s16+$0xFFFFFFD0] =	vst v1  }
0x84: {  	v1 =	vld.idx.msk [tilespmem:v0+s31+$0x3060 ss:$0x1], $0xffff;
	_ =	sdelay $0x4  }
0x85: {  	[tilespmem:s16+$0xFFFFFFE0] =	vst v1  }
0x86: {  	v1 =	vld.idx.msk [tilespmem:v0+s31+$0x3070 ss:$0x1], $0xffff;
	_ =	sdelay $0x4  }
0x87: {  	[tilespmem:s16+$0xFFFFFFF0] =	vst v1  }
0x88: {  	v1 =	vld.idx.msk [tilespmem:v0+s31+$0x4000 ss:$0x1], $0xffff;
	_ =	sdelay $0x4  }
0x89: {  	[tilespmem:s16+$0x0] =	vst v1  }
0x8a: {  	v1 =	vld.idx.msk [tilespmem:v0+s31+$0x4010 ss:$0x1], $0xffff;
	_ =	sdelay $0x4  }
0x8b: {  	[tilespmem:s16+$0x10] =	vst v1  }
0x8c: {  	v1 =	vld.idx.msk [tilespmem:v0+s31+$0x4020 ss:$0x1], $0xffff;
	_ =	sdelay $0x4  }
0x8d: {  	[tilespmem:s16+$0x20] =	vst v1  }
0x8e: {  	v1 =	vld.idx.msk [tilespmem:v0+s31+$0x4030 ss:$0x1], $0xffff;
	_ =	sdelay $0x4  }
0x8f: {  	[tilespmem:s16+$0x30] =	vst v1  }
0x90: {  	v1 =	vld.idx.msk [tilespmem:v0+s31+$0x4040 ss:$0x1], $0xffff;
	_ =	sdelay $0x4  }
0x91: {  	[tilespmem:s16+$0x40] =	vst v1  }
0x92: {  	v1 =	vld.idx.msk [tilespmem:v0+s31+$0x4050 ss:$0x1], $0xffff;
	_ =	sdelay $0x4  }
0x93: {  	[tilespmem:s16+$0x50] =	vst v1  }
0x94: {  	v1 =	vld.idx.msk [tilespmem:v0+s31+$0x4060 ss:$0x1], $0xffff;
	_ =	sdelay $0x4  }
0x95: {  	[tilespmem:s16+$0x60] =	vst v1  }
0x96: {  	v1 =	vld.idx.msk [tilespmem:v0+s31+$0x4070 ss:$0x1], $0xffff;
	_ =	sdelay $0x4  }
0x97: {  	[tilespmem:s16+$0x70] =	vst v1  }
0x98: {  	v1 =	vld.idx.msk [tilespmem:v0+s31+$0x5000 ss:$0x1], $0xffff;
	_ =	sdelay $0x4  }
0x99: {  	[tilespmem:s16+$0x80] =	vst v1  }
0x9a: {  	v1 =	vld.idx.msk [tilespmem:v0+s31+$0x5010 ss:$0x1], $0xffff;
	_ =	sdelay $0x4  }
0x9b: {  	[tilespmem:s16+$0x90] =	vst v1  }
0x9c: {  	v1 =	vld.idx.msk [tilespmem:v0+s31+$0x5020 ss:$0x1], $0xffff;
	_ =	sdelay $0x4  }
0x9d: {  	[tilespmem:s16+$0xA0] =	vst v1  }
0x9e: {  	v1 =	vld.idx.msk [tilespmem:v0+s31+$0x5030 ss:$0x1], $0xffff;
	_ =	sdelay $0x4  }
0x9f: {  	[tilespmem:s16+$0xB0] =	vst v1  }
0xa0: {  	v1 =	vld.idx.msk [tilespmem:v0+s31+$0x5040 ss:$0x1], $0xffff;
	_ =	sdelay $0x4  }
0xa1: {  	[tilespmem:s16+$0xC0] =	vst v1  }
0xa2: {  	v1 =	vld.idx.msk [tilespmem:v0+s31+$0x5050 ss:$0x1], $0xffff;
	_ =	sdelay $0x4  }
0xa3: {  	[tilespmem:s16+$0xD0] =	vst v1  }
0xa4: {  	v1 =	vld.idx.msk [tilespmem:v0+s31+$0x5060 ss:$0x1], $0xffff;
	_ =	sdelay $0x4  }
0xa5: {  	[tilespmem:s16+$0xE0] =	vst v1  }
0xa6: {  	v1 =	vld.idx.msk [tilespmem:v0+s31+$0x5070 ss:$0x1], $0xffff;
	_ =	sdelay $0x4  }
0xa7: {  	[tilespmem:s16+$0xF0] =	vst v1  }
0xa8: {  	v1 =	vld.idx.msk [tilespmem:v0+s31+$0x6000 ss:$0x1], $0xffff;
	_ =	sdelay $0x4  }
0xa9: {  	[tilespmem:s16+$0x100] =	vst v1  }
0xaa: {  	v1 =	vld.idx.msk [tilespmem:v0+s31+$0x6010 ss:$0x1], $0xffff;
	_ =	sdelay $0x4  }
0xab: {  	[tilespmem:s16+$0x110] =	vst v1  }
0xac: {  	v1 =	vld.idx.msk [tilespmem:v0+s31+$0x6020 ss:$0x1], $0xffff;
	_ =	sdelay $0x4  }
0xad: {  	[tilespmem:s16+$0x120] =	vst v1  }
0xae: {  	v1 =	vld.idx.msk [tilespmem:v0+s31+$0x6030 ss:$0x1], $0xffff;
	_ =	sdelay $0x4  }
0xaf: {  	[tilespmem:s16+$0x130] =	vst v1  }
0xb0: {  	v1 =	vld.idx.msk [tilespmem:v0+s31+$0x6040 ss:$0x1], $0xffff;
	_ =	sdelay $0x4  }
0xb1: {  	[tilespmem:s16+$0x140] =	vst v1  }
0xb2: {  	v1 =	vld.idx.msk [tilespmem:v0+s31+$0x6050 ss:$0x1], $0xffff;
	_ =	sdelay $0x4  }
0xb3: {  	[tilespmem:s16+$0x150] =	vst v1  }
0xb4: {  	v1 =	vld.idx.msk [tilespmem:v0+s31+$0x6060 ss:$0x1], $0xffff;
	_ =	sdelay $0x4  }
0xb5: {  	[tilespmem:s16+$0x160] =	vst v1  }
0xb6: {  	v1 =	vld.idx.msk [tilespmem:v0+s31+$0x6070 ss:$0x1], $0xffff;
	_ =	sdelay $0x4  }
0xb7: {  	[tilespmem:s16+$0x170] =	vst v1  }
0xb8: {  	v1 =	vld.idx.msk [tilespmem:v0+s31+$0x7000 ss:$0x1], $0xffff;
	_ =	sdelay $0x4  }
0xb9: {  	[tilespmem:s16+$0x180] =	vst v1  }
0xba: {  	v1 =	vld.idx.msk [tilespmem:v0+s31+$0x7010 ss:$0x1], $0xffff;
	_ =	sdelay $0x4  }
0xbb: {  	[tilespmem:s16+$0x190] =	vst v1  }
0xbc: {  	v1 =	vld.idx.msk [tilespmem:v0+s31+$0x7020 ss:$0x1], $0xffff;
	_ =	sdelay $0x4  }
0xbd: {  	[tilespmem:s16+$0x1A0] =	vst v1  }
0xbe: {  	v1 =	vld.idx.msk [tilespmem:v0+s31+$0x7030 ss:$0x1], $0xffff;
	_ =	sdelay $0x4  }
0xbf: {  	[tilespmem:s16+$0x1B0] =	vst v1  }
0xc0: {  	v1 =	vld.idx.msk [tilespmem:v0+s31+$0x7040 ss:$0x1], $0xffff;
	_ =	sdelay $0x4  }
0xc1: {  	[tilespmem:s16+$0x1C0] =	vst v1  }
0xc2: {  	v1 =	vld.idx.msk [tilespmem:v0+s31+$0x7050 ss:$0x1], $0xffff;
	_ =	sdelay $0x4  }
0xc3: {  	[tilespmem:s16+$0x1D0] =	vst v1  }
0xc4: {  	v1 =	vld.idx.msk [tilespmem:v0+s31+$0x7060 ss:$0x1], $0xffff;
	_ =	sdelay $0x4  }
0xc5: {  	[tilespmem:s16+$0x1E0] =	vst v1  }
0xc6: {  	v1 =	vld.idx.msk [tilespmem:v0+s31+$0x7070 ss:$0x1], $0xffff;
	_ =	sdelay $0x4  }
0xc7: {  	s18 =	simm.s32 $0x400;
	s15 =	sadd.s32 $0x8080, s17;
	s17 =	simm.s32 $0x80;
	[tilespmem:s16+$0x1F0] =	vst v1  }
.LBB2_3:
0xc8: {  	p1 =	sne.s32 s18, $0x3E00;
	v1 =	vld.idx.msk [tilespmem:v0+s17+$0x0 ss:$0x1], $0xffff;
	_ =	sdelay $0x4  }
0xc9: {  	s16 =	sadd.s32 $0x400, s16  }
0xca: {  	[tilespmem:s16+$0xFFFFFE00] =	vst v1  }
0xcb: {  	v1 =	vld.idx.msk [tilespmem:v0+s17+$0x10 ss:$0x1], $0xffff;
	_ =	sdelay $0x5  }
0xcc: {  	[tilespmem:s16+$0xFFFFFE10] =	vst v1  }
0xcd: {  	v1 =	vld.idx.msk [tilespmem:v0+s17+$0x20 ss:$0x1], $0xffff;
	_ =	sdelay $0x5  }
0xce: {  	[tilespmem:s16+$0xFFFFFE20] =	vst v1  }
0xcf: {  	v1 =	vld.idx.msk [tilespmem:v0+s17+$0x30 ss:$0x1], $0xffff;
	_ =	sdelay $0x5  }
0xd0: {  	[tilespmem:s16+$0xFFFFFE30] =	vst v1  }
0xd1: {  	v1 =	vld.idx.msk [tilespmem:v0+s17+$0x40 ss:$0x1], $0xffff;
	_ =	sdelay $0x5  }
0xd2: {  	[tilespmem:s16+$0xFFFFFE40] =	vst v1  }
0xd3: {  	v1 =	vld.idx.msk [tilespmem:v0+s17+$0x50 ss:$0x1], $0xffff;
	_ =	sdelay $0x5  }
0xd4: {  	[tilespmem:s16+$0xFFFFFE50] =	vst v1  }
0xd5: {  	v1 =	vld.idx.msk [tilespmem:v0+s17+$0x60 ss:$0x1], $0xffff;
	_ =	sdelay $0x5  }
0xd6: {  	[tilespmem:s16+$0xFFFFFE60] =	vst v1  }
0xd7: {  	v1 =	vld.idx.msk [tilespmem:v0+s17+$0x70 ss:$0x1], $0xffff;
	_ =	sdelay $0x5  }
0xd8: {  	[tilespmem:s16+$0xFFFFFE70] =	vst v1  }
0xd9: {  	v1 =	vld.idx.msk [tilespmem:v0+s17+$0x1000 ss:$0x1], $0xffff;
	_ =	sdelay $0x5  }
0xda: {  	[tilespmem:s16+$0xFFFFFE80] =	vst v1  }
0xdb: {  	v1 =	vld.idx.msk [tilespmem:v0+s17+$0x1010 ss:$0x1], $0xffff;
	_ =	sdelay $0x5  }
0xdc: {  	[tilespmem:s16+$0xFFFFFE90] =	vst v1  }
0xdd: {  	v1 =	vld.idx.msk [tilespmem:v0+s17+$0x1020 ss:$0x1], $0xffff;
	_ =	sdelay $0x5  }
0xde: {  	[tilespmem:s16+$0xFFFFFEA0] =	vst v1  }
0xdf: {  	v1 =	vld.idx.msk [tilespmem:v0+s17+$0x1030 ss:$0x1], $0xffff;
	_ =	sdelay $0x5  }
0xe0: {  	[tilespmem:s16+$0xFFFFFEB0] =	vst v1  }
0xe1: {  	v1 =	vld.idx.msk [tilespmem:v0+s17+$0x1040 ss:$0x1], $0xffff;
	_ =	sdelay $0x5  }
0xe2: {  	[tilespmem:s16+$0xFFFFFEC0] =	vst v1  }
0xe3: {  	v1 =	vld.idx.msk [tilespmem:v0+s17+$0x1050 ss:$0x1], $0xffff;
	_ =	sdelay $0x5  }
0xe4: {  	[tilespmem:s16+$0xFFFFFED0] =	vst v1  }
0xe5: {  	v1 =	vld.idx.msk [tilespmem:v0+s17+$0x1060 ss:$0x1], $0xffff;
	_ =	sdelay $0x5  }
0xe6: {  	[tilespmem:s16+$0xFFFFFEE0] =	vst v1  }
0xe7: {  	v1 =	vld.idx.msk [tilespmem:v0+s17+$0x1070 ss:$0x1], $0xffff;
	_ =	sdelay $0x5  }
0xe8: {  	[tilespmem:s16+$0xFFFFFEF0] =	vst v1  }
0xe9: {  	v1 =	vld.idx.msk [tilespmem:v0+s17+$0x2000 ss:$0x1], $0xffff;
	_ =	sdelay $0x5  }
0xea: {  	[tilespmem:s16+$0xFFFFFF00] =	vst v1  }
0xeb: {  	v1 =	vld.idx.msk [tilespmem:v0+s17+$0x2010 ss:$0x1], $0xffff;
	_ =	sdelay $0x5  }
0xec: {  	[tilespmem:s16+$0xFFFFFF10] =	vst v1  }
0xed: {  	v1 =	vld.idx.msk [tilespmem:v0+s17+$0x2020 ss:$0x1], $0xffff;
	_ =	sdelay $0x5  }
0xee: {  	[tilespmem:s16+$0xFFFFFF20] =	vst v1  }
0xef: {  	v1 =	vld.idx.msk [tilespmem:v0+s17+$0x2030 ss:$0x1], $0xffff;
	_ =	sdelay $0x5  }
0xf0: {  	[tilespmem:s16+$0xFFFFFF30] =	vst v1  }
0xf1: {  	v1 =	vld.idx.msk [tilespmem:v0+s17+$0x2040 ss:$0x1], $0xffff;
	_ =	sdelay $0x5  }
0xf2: {  	[tilespmem:s16+$0xFFFFFF40] =	vst v1  }
0xf3: {  	v1 =	vld.idx.msk [tilespmem:v0+s17+$0x2050 ss:$0x1], $0xffff;
	_ =	sdelay $0x5  }
0xf4: {  	[tilespmem:s16+$0xFFFFFF50] =	vst v1  }
0xf5: {  	v1 =	vld.idx.msk [tilespmem:v0+s17+$0x2060 ss:$0x1], $0xffff;
	_ =	sdelay $0x5  }
0xf6: {  	[tilespmem:s16+$0xFFFFFF60] =	vst v1  }
0xf7: {  	v1 =	vld.idx.msk [tilespmem:v0+s17+$0x2070 ss:$0x1], $0xffff;
	_ =	sdelay $0x5  }
0xf8: {  	[tilespmem:s16+$0xFFFFFF70] =	vst v1  }
0xf9: {  	v1 =	vld.idx.msk [tilespmem:v0+s17+$0x3000 ss:$0x1], $0xffff;
	_ =	sdelay $0x5  }
0xfa: {  	[tilespmem:s16+$0xFFFFFF80] =	vst v1  }
0xfb: {  	v1 =	vld.idx.msk [tilespmem:v0+s17+$0x3010 ss:$0x1], $0xffff;
	_ =	sdelay $0x5  }
0xfc: {  	[tilespmem:s16+$0xFFFFFF90] =	vst v1  }
0xfd: {  	v1 =	vld.idx.msk [tilespmem:v0+s17+$0x3020 ss:$0x1], $0xffff;
	_ =	sdelay $0x5  }
0xfe: {  	[tilespmem:s16+$0xFFFFFFA0] =	vst v1  }
0xff: {  	v1 =	vld.idx.msk [tilespmem:v0+s17+$0x3030 ss:$0x1], $0xffff;
	_ =	sdelay $0x5  }
0x100: {  	[tilespmem:s16+$0xFFFFFFB0] =	vst v1  }
0x101: {  	v1 =	vld.idx.msk [tilespmem:v0+s17+$0x3040 ss:$0x1], $0xffff;
	_ =	sdelay $0x5  }
0x102: {  	[tilespmem:s16+$0xFFFFFFC0] =	vst v1  }
0x103: {  	v1 =	vld.idx.msk [tilespmem:v0+s17+$0x3050 ss:$0x1], $0xffff;
	_ =	sdelay $0x5  }
0x104: {  	[tilespmem:s16+$0xFFFFFFD0] =	vst v1  }
0x105: {  	v1 =	vld.idx.msk [tilespmem:v0+s17+$0x3060 ss:$0x1], $0xffff;
	_ =	sdelay $0x5  }
0x106: {  	[tilespmem:s16+$0xFFFFFFE0] =	vst v1  }
0x107: {  	v1 =	vld.idx.msk [tilespmem:v0+s17+$0x3070 ss:$0x1], $0xffff;
	_ =	sdelay $0x5  }
0x108: {  	[tilespmem:s16+$0xFFFFFFF0] =	vst v1  }
0x109: {  	v1 =	vld.idx.msk [tilespmem:v0+s17+$0x4000 ss:$0x1], $0xffff;
	_ =	sdelay $0x5  }
0x10a: {  	[tilespmem:s16+$0x0] =	vst v1  }
0x10b: {  	v1 =	vld.idx.msk [tilespmem:v0+s17+$0x4010 ss:$0x1], $0xffff;
	_ =	sdelay $0x5  }
0x10c: {  	[tilespmem:s16+$0x10] =	vst v1  }
0x10d: {  	v1 =	vld.idx.msk [tilespmem:v0+s17+$0x4020 ss:$0x1], $0xffff;
	_ =	sdelay $0x5  }
0x10e: {  	[tilespmem:s16+$0x20] =	vst v1  }
0x10f: {  	v1 =	vld.idx.msk [tilespmem:v0+s17+$0x4030 ss:$0x1], $0xffff;
	_ =	sdelay $0x5  }
0x110: {  	[tilespmem:s16+$0x30] =	vst v1  }
0x111: {  	v1 =	vld.idx.msk [tilespmem:v0+s17+$0x4040 ss:$0x1], $0xffff;
	_ =	sdelay $0x5  }
0x112: {  	[tilespmem:s16+$0x40] =	vst v1  }
0x113: {  	v1 =	vld.idx.msk [tilespmem:v0+s17+$0x4050 ss:$0x1], $0xffff;
	_ =	sdelay $0x5  }
0x114: {  	[tilespmem:s16+$0x50] =	vst v1  }
0x115: {  	v1 =	vld.idx.msk [tilespmem:v0+s17+$0x4060 ss:$0x1], $0xffff;
	_ =	sdelay $0x5  }
0x116: {  	[tilespmem:s16+$0x60] =	vst v1  }
0x117: {  	v1 =	vld.idx.msk [tilespmem:v0+s17+$0x4070 ss:$0x1], $0xffff;
	_ =	sdelay $0x5  }
0x118: {  	[tilespmem:s16+$0x70] =	vst v1  }
0x119: {  	v1 =	vld.idx.msk [tilespmem:v0+s17+$0x5000 ss:$0x1], $0xffff;
	_ =	sdelay $0x5  }
0x11a: {  	[tilespmem:s16+$0x80] =	vst v1  }
0x11b: {  	v1 =	vld.idx.msk [tilespmem:v0+s17+$0x5010 ss:$0x1], $0xffff;
	_ =	sdelay $0x5  }
0x11c: {  	[tilespmem:s16+$0x90] =	vst v1  }
0x11d: {  	v1 =	vld.idx.msk [tilespmem:v0+s17+$0x5020 ss:$0x1], $0xffff;
	_ =	sdelay $0x5  }
0x11e: {  	[tilespmem:s16+$0xA0] =	vst v1  }
0x11f: {  	v1 =	vld.idx.msk [tilespmem:v0+s17+$0x5030 ss:$0x1], $0xffff;
	_ =	sdelay $0x5  }
0x120: {  	[tilespmem:s16+$0xB0] =	vst v1  }
0x121: {  	v1 =	vld.idx.msk [tilespmem:v0+s17+$0x5040 ss:$0x1], $0xffff;
	_ =	sdelay $0x5  }
0x122: {  	[tilespmem:s16+$0xC0] =	vst v1  }
0x123: {  	v1 =	vld.idx.msk [tilespmem:v0+s17+$0x5050 ss:$0x1], $0xffff;
	_ =	sdelay $0x5  }
0x124: {  	[tilespmem:s16+$0xD0] =	vst v1  }
0x125: {  	v1 =	vld.idx.msk [tilespmem:v0+s17+$0x5060 ss:$0x1], $0xffff;
	_ =	sdelay $0x5  }
0x126: {  	[tilespmem:s16+$0xE0] =	vst v1  }
0x127: {  	v1 =	vld.idx.msk [tilespmem:v0+s17+$0x5070 ss:$0x1], $0xffff;
	_ =	sdelay $0x5  }
0x128: {  	[tilespmem:s16+$0xF0] =	vst v1  }
0x129: {  	v1 =	vld.idx.msk [tilespmem:v0+s17+$0x6000 ss:$0x1], $0xffff;
	_ =	sdelay $0x5  }
0x12a: {  	[tilespmem:s16+$0x100] =	vst v1  }
0x12b: {  	v1 =	vld.idx.msk [tilespmem:v0+s17+$0x6010 ss:$0x1], $0xffff;
	_ =	sdelay $0x5  }
0x12c: {  	[tilespmem:s16+$0x110] =	vst v1  }
0x12d: {  	v1 =	vld.idx.msk [tilespmem:v0+s17+$0x6020 ss:$0x1], $0xffff;
	_ =	sdelay $0x5  }
0x12e: {  	[tilespmem:s16+$0x120] =	vst v1  }
0x12f: {  	v1 =	vld.idx.msk [tilespmem:v0+s17+$0x6030 ss:$0x1], $0xffff;
	_ =	sdelay $0x5  }
0x130: {  	[tilespmem:s16+$0x130] =	vst v1  }
0x131: {  	v1 =	vld.idx.msk [tilespmem:v0+s17+$0x6040 ss:$0x1], $0xffff;
	_ =	sdelay $0x5  }
0x132: {  	[tilespmem:s16+$0x140] =	vst v1  }
0x133: {  	v1 =	vld.idx.msk [tilespmem:v0+s17+$0x6050 ss:$0x1], $0xffff;
	_ =	sdelay $0x5  }
0x134: {  	[tilespmem:s16+$0x150] =	vst v1  }
0x135: {  	v1 =	vld.idx.msk [tilespmem:v0+s17+$0x6060 ss:$0x1], $0xffff;
	_ =	sdelay $0x5  }
0x136: {  	[tilespmem:s16+$0x160] =	vst v1  }
0x137: {  	v1 =	vld.idx.msk [tilespmem:v0+s17+$0x6070 ss:$0x1], $0xffff;
	_ =	sdelay $0x5  }
0x138: {  	[tilespmem:s16+$0x170] =	vst v1  }
0x139: {  	v1 =	vld.idx.msk [tilespmem:v0+s17+$0x7000 ss:$0x1], $0xffff;
	_ =	sdelay $0x5  }
0x13a: {  	[tilespmem:s16+$0x180] =	vst v1  }
0x13b: {  	v1 =	vld.idx.msk [tilespmem:v0+s17+$0x7010 ss:$0x1], $0xffff;
	_ =	sdelay $0x5  }
0x13c: {  	[tilespmem:s16+$0x190] =	vst v1  }
0x13d: {  	v1 =	vld.idx.msk [tilespmem:v0+s17+$0x7020 ss:$0x1], $0xffff;
	_ =	sdelay $0x5  }
0x13e: {  	[tilespmem:s16+$0x1A0] =	vst v1  }
0x13f: {  	v1 =	vld.idx.msk [tilespmem:v0+s17+$0x7030 ss:$0x1], $0xffff;
	_ =	sdelay $0x5  }
0x140: {  	[tilespmem:s16+$0x1B0] =	vst v1  }
0x141: {  	v1 =	vld.idx.msk [tilespmem:v0+s17+$0x7040 ss:$0x1], $0xffff;
	_ =	sdelay $0x5  }
0x142: {  	[tilespmem:s16+$0x1C0] =	vst v1  }
0x143: {  	v1 =	vld.idx.msk [tilespmem:v0+s17+$0x7050 ss:$0x1], $0xffff;
	_ =	sdelay $0x5  }
0x144: {  	[tilespmem:s16+$0x1D0] =	vst v1  }
0x145: {  	v1 =	vld.idx.msk [tilespmem:v0+s17+$0x7060 ss:$0x1], $0xffff;
	_ =	sdelay $0x5  }
0x146: {  	[tilespmem:s16+$0x1E0] =	vst v1  }
0x147: {  	v1 =	vld.idx.msk [tilespmem:v0+s17+$0x7070 ss:$0x1], $0xffff;
	_ =	sdelay $0x1  }
.Ltmp0:
0x148: {  	(pc) =	sbr.rel @p1 .LBB2_3-.Ltmp0, $2  }
0x149: {  	_ =	sdelay $0x2  }
0x14a: {  	s17 =	sshra.s32 s18, $0x2;
	s18 =	sadd.s32 $0x200, s18;
	[tilespmem:s16+$0x1F0] =	vst v1  }
0x14b: {  	_ =	sdelay $0x3  }
0x14c: {  	v1 =	vld.idx.msk [tilespmem:v0+s17+$0x0 ss:$0x1], $0xffff;
	_ =	sdelay $0x3  }
0x14d: {  	s16 =	sadd.s32 $0x400, s16  }
0x14e: {  	[tilespmem:s16+$0xFFFFFE00] =	vst v1  }
0x14f: {  	v1 =	vld.idx.msk [tilespmem:v0+s17+$0x10 ss:$0x1], $0xffff;
	_ =	sdelay $0x4  }
0x150: {  	[tilespmem:s16+$0xFFFFFE10] =	vst v1  }
0x151: {  	v1 =	vld.idx.msk [tilespmem:v0+s17+$0x20 ss:$0x1], $0xffff;
	_ =	sdelay $0x4  }
0x152: {  	[tilespmem:s16+$0xFFFFFE20] =	vst v1  }
0x153: {  	v1 =	vld.idx.msk [tilespmem:v0+s17+$0x30 ss:$0x1], $0xffff;
	_ =	sdelay $0x4  }
0x154: {  	[tilespmem:s16+$0xFFFFFE30] =	vst v1  }
0x155: {  	v1 =	vld.idx.msk [tilespmem:v0+s17+$0x40 ss:$0x1], $0xffff;
	_ =	sdelay $0x4  }
0x156: {  	[tilespmem:s16+$0xFFFFFE40] =	vst v1  }
0x157: {  	v1 =	vld.idx.msk [tilespmem:v0+s17+$0x50 ss:$0x1], $0xffff;
	_ =	sdelay $0x4  }
0x158: {  	[tilespmem:s16+$0xFFFFFE50] =	vst v1  }
0x159: {  	v1 =	vld.idx.msk [tilespmem:v0+s17+$0x60 ss:$0x1], $0xffff;
	_ =	sdelay $0x4  }
0x15a: {  	[tilespmem:s16+$0xFFFFFE60] =	vst v1  }
0x15b: {  	v1 =	vld.idx.msk [tilespmem:v0+s17+$0x70 ss:$0x1], $0xffff;
	_ =	sdelay $0x4  }
0x15c: {  	[tilespmem:s16+$0xFFFFFE70] =	vst v1  }
0x15d: {  	v1 =	vld.idx.msk [tilespmem:v0+s17+$0x1000 ss:$0x1], $0xffff;
	_ =	sdelay $0x4  }
0x15e: {  	[tilespmem:s16+$0xFFFFFE80] =	vst v1  }
0x15f: {  	v1 =	vld.idx.msk [tilespmem:v0+s17+$0x1010 ss:$0x1], $0xffff;
	_ =	sdelay $0x4  }
0x160: {  	[tilespmem:s16+$0xFFFFFE90] =	vst v1  }
0x161: {  	v1 =	vld.idx.msk [tilespmem:v0+s17+$0x1020 ss:$0x1], $0xffff;
	_ =	sdelay $0x4  }
0x162: {  	[tilespmem:s16+$0xFFFFFEA0] =	vst v1  }
0x163: {  	v1 =	vld.idx.msk [tilespmem:v0+s17+$0x1030 ss:$0x1], $0xffff;
	_ =	sdelay $0x4  }
0x164: {  	[tilespmem:s16+$0xFFFFFEB0] =	vst v1  }
0x165: {  	v1 =	vld.idx.msk [tilespmem:v0+s17+$0x1040 ss:$0x1], $0xffff;
	_ =	sdelay $0x4  }
0x166: {  	[tilespmem:s16+$0xFFFFFEC0] =	vst v1  }
0x167: {  	v1 =	vld.idx.msk [tilespmem:v0+s17+$0x1050 ss:$0x1], $0xffff;
	_ =	sdelay $0x4  }
0x168: {  	[tilespmem:s16+$0xFFFFFED0] =	vst v1  }
0x169: {  	v1 =	vld.idx.msk [tilespmem:v0+s17+$0x1060 ss:$0x1], $0xffff;
	_ =	sdelay $0x4  }
0x16a: {  	[tilespmem:s16+$0xFFFFFEE0] =	vst v1  }
0x16b: {  	v1 =	vld.idx.msk [tilespmem:v0+s17+$0x1070 ss:$0x1], $0xffff;
	_ =	sdelay $0x4  }
0x16c: {  	[tilespmem:s16+$0xFFFFFEF0] =	vst v1  }
0x16d: {  	v1 =	vld.idx.msk [tilespmem:v0+s17+$0x2000 ss:$0x1], $0xffff;
	_ =	sdelay $0x4  }
0x16e: {  	[tilespmem:s16+$0xFFFFFF00] =	vst v1  }
0x16f: {  	v1 =	vld.idx.msk [tilespmem:v0+s17+$0x2010 ss:$0x1], $0xffff;
	_ =	sdelay $0x4  }
0x170: {  	[tilespmem:s16+$0xFFFFFF10] =	vst v1  }
0x171: {  	v1 =	vld.idx.msk [tilespmem:v0+s17+$0x2020 ss:$0x1], $0xffff;
	_ =	sdelay $0x4  }
0x172: {  	[tilespmem:s16+$0xFFFFFF20] =	vst v1  }
0x173: {  	v1 =	vld.idx.msk [tilespmem:v0+s17+$0x2030 ss:$0x1], $0xffff;
	_ =	sdelay $0x4  }
0x174: {  	[tilespmem:s16+$0xFFFFFF30] =	vst v1  }
0x175: {  	v1 =	vld.idx.msk [tilespmem:v0+s17+$0x2040 ss:$0x1], $0xffff;
	_ =	sdelay $0x4  }
0x176: {  	[tilespmem:s16+$0xFFFFFF40] =	vst v1  }
0x177: {  	v1 =	vld.idx.msk [tilespmem:v0+s17+$0x2050 ss:$0x1], $0xffff;
	_ =	sdelay $0x4  }
0x178: {  	[tilespmem:s16+$0xFFFFFF50] =	vst v1  }
0x179: {  	v1 =	vld.idx.msk [tilespmem:v0+s17+$0x2060 ss:$0x1], $0xffff;
	_ =	sdelay $0x4  }
0x17a: {  	[tilespmem:s16+$0xFFFFFF60] =	vst v1  }
0x17b: {  	v1 =	vld.idx.msk [tilespmem:v0+s17+$0x2070 ss:$0x1], $0xffff;
	_ =	sdelay $0x4  }
0x17c: {  	[tilespmem:s16+$0xFFFFFF70] =	vst v1  }
0x17d: {  	v1 =	vld.idx.msk [tilespmem:v0+s17+$0x3000 ss:$0x1], $0xffff;
	_ =	sdelay $0x4  }
0x17e: {  	[tilespmem:s16+$0xFFFFFF80] =	vst v1  }
0x17f: {  	v1 =	vld.idx.msk [tilespmem:v0+s17+$0x3010 ss:$0x1], $0xffff;
	_ =	sdelay $0x4  }
0x180: {  	[tilespmem:s16+$0xFFFFFF90] =	vst v1  }
0x181: {  	v1 =	vld.idx.msk [tilespmem:v0+s17+$0x3020 ss:$0x1], $0xffff;
	_ =	sdelay $0x4  }
0x182: {  	[tilespmem:s16+$0xFFFFFFA0] =	vst v1  }
0x183: {  	v1 =	vld.idx.msk [tilespmem:v0+s17+$0x3030 ss:$0x1], $0xffff;
	_ =	sdelay $0x4  }
0x184: {  	[tilespmem:s16+$0xFFFFFFB0] =	vst v1  }
0x185: {  	v1 =	vld.idx.msk [tilespmem:v0+s17+$0x3040 ss:$0x1], $0xffff;
	_ =	sdelay $0x4  }
0x186: {  	[tilespmem:s16+$0xFFFFFFC0] =	vst v1  }
0x187: {  	v1 =	vld.idx.msk [tilespmem:v0+s17+$0x3050 ss:$0x1], $0xffff;
	_ =	sdelay $0x4  }
0x188: {  	[tilespmem:s16+$0xFFFFFFD0] =	vst v1  }
0x189: {  	v1 =	vld.idx.msk [tilespmem:v0+s17+$0x3060 ss:$0x1], $0xffff;
	_ =	sdelay $0x4  }
0x18a: {  	[tilespmem:s16+$0xFFFFFFE0] =	vst v1  }
0x18b: {  	v1 =	vld.idx.msk [tilespmem:v0+s17+$0x3070 ss:$0x1], $0xffff;
	_ =	sdelay $0x4  }
0x18c: {  	[tilespmem:s16+$0xFFFFFFF0] =	vst v1  }
0x18d: {  	v1 =	vld.idx.msk [tilespmem:v0+s17+$0x4000 ss:$0x1], $0xffff;
	_ =	sdelay $0x4  }
0x18e: {  	[tilespmem:s16+$0x0] =	vst v1  }
0x18f: {  	v1 =	vld.idx.msk [tilespmem:v0+s17+$0x4010 ss:$0x1], $0xffff;
	_ =	sdelay $0x4  }
0x190: {  	[tilespmem:s16+$0x10] =	vst v1  }
0x191: {  	v1 =	vld.idx.msk [tilespmem:v0+s17+$0x4020 ss:$0x1], $0xffff;
	_ =	sdelay $0x4  }
0x192: {  	[tilespmem:s16+$0x20] =	vst v1  }
0x193: {  	v1 =	vld.idx.msk [tilespmem:v0+s17+$0x4030 ss:$0x1], $0xffff;
	_ =	sdelay $0x4  }
0x194: {  	[tilespmem:s16+$0x30] =	vst v1  }
0x195: {  	v1 =	vld.idx.msk [tilespmem:v0+s17+$0x4040 ss:$0x1], $0xffff;
	_ =	sdelay $0x4  }
0x196: {  	[tilespmem:s16+$0x40] =	vst v1  }
0x197: {  	v1 =	vld.idx.msk [tilespmem:v0+s17+$0x4050 ss:$0x1], $0xffff;
	_ =	sdelay $0x4  }
0x198: {  	[tilespmem:s16+$0x50] =	vst v1  }
0x199: {  	v1 =	vld.idx.msk [tilespmem:v0+s17+$0x4060 ss:$0x1], $0xffff;
	_ =	sdelay $0x4  }
0x19a: {  	[tilespmem:s16+$0x60] =	vst v1  }
0x19b: {  	v1 =	vld.idx.msk [tilespmem:v0+s17+$0x4070 ss:$0x1], $0xffff;
	_ =	sdelay $0x4  }
0x19c: {  	[tilespmem:s16+$0x70] =	vst v1  }
0x19d: {  	v1 =	vld.idx.msk [tilespmem:v0+s17+$0x5000 ss:$0x1], $0xffff;
	_ =	sdelay $0x4  }
0x19e: {  	[tilespmem:s16+$0x80] =	vst v1  }
0x19f: {  	v1 =	vld.idx.msk [tilespmem:v0+s17+$0x5010 ss:$0x1], $0xffff;
	_ =	sdelay $0x4  }
0x1a0: {  	[tilespmem:s16+$0x90] =	vst v1  }
0x1a1: {  	v1 =	vld.idx.msk [tilespmem:v0+s17+$0x5020 ss:$0x1], $0xffff;
	_ =	sdelay $0x4  }
0x1a2: {  	[tilespmem:s16+$0xA0] =	vst v1  }
0x1a3: {  	v1 =	vld.idx.msk [tilespmem:v0+s17+$0x5030 ss:$0x1], $0xffff;
	_ =	sdelay $0x4  }
0x1a4: {  	[tilespmem:s16+$0xB0] =	vst v1  }
0x1a5: {  	v1 =	vld.idx.msk [tilespmem:v0+s17+$0x5040 ss:$0x1], $0xffff;
	_ =	sdelay $0x4  }
0x1a6: {  	[tilespmem:s16+$0xC0] =	vst v1  }
0x1a7: {  	v1 =	vld.idx.msk [tilespmem:v0+s17+$0x5050 ss:$0x1], $0xffff;
	_ =	sdelay $0x4  }
0x1a8: {  	[tilespmem:s16+$0xD0] =	vst v1  }
0x1a9: {  	v1 =	vld.idx.msk [tilespmem:v0+s17+$0x5060 ss:$0x1], $0xffff;
	_ =	sdelay $0x4  }
0x1aa: {  	[tilespmem:s16+$0xE0] =	vst v1  }
0x1ab: {  	v1 =	vld.idx.msk [tilespmem:v0+s17+$0x5070 ss:$0x1], $0xffff;
	_ =	sdelay $0x4  }
0x1ac: {  	[tilespmem:s16+$0xF0] =	vst v1  }
0x1ad: {  	v1 =	vld.idx.msk [tilespmem:v0+s17+$0x6000 ss:$0x1], $0xffff;
	_ =	sdelay $0x4  }
0x1ae: {  	[tilespmem:s16+$0x100] =	vst v1  }
0x1af: {  	v1 =	vld.idx.msk [tilespmem:v0+s17+$0x6010 ss:$0x1], $0xffff;
	_ =	sdelay $0x4  }
0x1b0: {  	[tilespmem:s16+$0x110] =	vst v1  }
0x1b1: {  	v1 =	vld.idx.msk [tilespmem:v0+s17+$0x6020 ss:$0x1], $0xffff;
	_ =	sdelay $0x4  }
0x1b2: {  	[tilespmem:s16+$0x120] =	vst v1  }
0x1b3: {  	v1 =	vld.idx.msk [tilespmem:v0+s17+$0x6030 ss:$0x1], $0xffff;
	_ =	sdelay $0x4  }
0x1b4: {  	[tilespmem:s16+$0x130] =	vst v1  }
0x1b5: {  	v1 =	vld.idx.msk [tilespmem:v0+s17+$0x6040 ss:$0x1], $0xffff;
	_ =	sdelay $0x4  }
0x1b6: {  	[tilespmem:s16+$0x140] =	vst v1  }
0x1b7: {  	v1 =	vld.idx.msk [tilespmem:v0+s17+$0x6050 ss:$0x1], $0xffff;
	_ =	sdelay $0x4  }
0x1b8: {  	[tilespmem:s16+$0x150] =	vst v1  }
0x1b9: {  	v1 =	vld.idx.msk [tilespmem:v0+s17+$0x6060 ss:$0x1], $0xffff;
	_ =	sdelay $0x4  }
0x1ba: {  	[tilespmem:s16+$0x160] =	vst v1  }
0x1bb: {  	v1 =	vld.idx.msk [tilespmem:v0+s17+$0x6070 ss:$0x1], $0xffff;
	_ =	sdelay $0x4  }
0x1bc: {  	[tilespmem:s16+$0x170] =	vst v1  }
0x1bd: {  	v1 =	vld.idx.msk [tilespmem:v0+s17+$0x7000 ss:$0x1], $0xffff;
	_ =	sdelay $0x4  }
0x1be: {  	[tilespmem:s16+$0x180] =	vst v1  }
0x1bf: {  	v1 =	vld.idx.msk [tilespmem:v0+s17+$0x7010 ss:$0x1], $0xffff;
	_ =	sdelay $0x4  }
0x1c0: {  	[tilespmem:s16+$0x190] =	vst v1  }
0x1c1: {  	v1 =	vld.idx.msk [tilespmem:v0+s17+$0x7020 ss:$0x1], $0xffff;
	_ =	sdelay $0x4  }
0x1c2: {  	[tilespmem:s16+$0x1A0] =	vst v1  }
0x1c3: {  	v1 =	vld.idx.msk [tilespmem:v0+s17+$0x7030 ss:$0x1], $0xffff;
	_ =	sdelay $0x4  }
0x1c4: {  	[tilespmem:s16+$0x1B0] =	vst v1  }
0x1c5: {  	v1 =	vld.idx.msk [tilespmem:v0+s17+$0x7040 ss:$0x1], $0xffff;
	_ =	sdelay $0x4  }
0x1c6: {  	[tilespmem:s16+$0x1C0] =	vst v1  }
0x1c7: {  	v1 =	vld.idx.msk [tilespmem:v0+s17+$0x7050 ss:$0x1], $0xffff;
	_ =	sdelay $0x4  }
0x1c8: {  	[tilespmem:s16+$0x1D0] =	vst v1  }
0x1c9: {  	v1 =	vld.idx.msk [tilespmem:v0+s17+$0x7060 ss:$0x1], $0xffff;
	_ =	sdelay $0x4  }
0x1ca: {  	[tilespmem:s16+$0x1E0] =	vst v1  }
0x1cb: {  	v63 =	vld.idx.msk [tilespmem:v0+s17+$0x7070 ss:$0x1], $0xffff;
	_ =	sdelay $0x2  }
0x1cc: {  	s18 =	sadd.s32 $0x0, s11  }
0x1cd: {  	s19 =	smov.u32 s12;
	p1 =	slt.u32 s18, $0xFFFFF800;
	s18 =	sadd.s32 $0x400, s15  }
0x1ce: {  	s20 =	simm.s32 @!p1 $0x0;
	s17 =	simm.s32 $0xFFFFFF80;
	[tilespmem:s16+$0x1F0] =	vst v63;
	s16 =	sadd.s32 $0xFFE00000, s12  }
.LBB2_5:
0x1cf: {  	[hbm4b:s19+s20] =	stream.linear.scatter @!p1 [tilespmem:s15], [sflag:$0x1], $0x4000, $0x38;
	[tilespmem:$0x18080] =	vst v63  }
0x1d0: {  	s20 =	smov.u32 s17;
	s17 =	sadd.s32 $0xFFFFFF80, s17  }
0x1d1: {  	p2 =	sne.s32 s17, $0xFFFFF780  }
.Ltmp1:
0x1d2: {  	(pc) =	sbr.rel @p2 .LBB2_5-.Ltmp1, $4  }
0x1d3: {  	s19 =	smov.u32 s16;
	s15 =	smov.u32 s18  }
0x1d4: {  	s20 =	sadd.s32 s20, s11  }
0x1d5: {  	p1 =	slt.u32 s20, $0xFFFFF800  }
0x1d6: {  	s16 =	sadd.s32 $0xFFE00000, s16;
	s18 =	sadd.s32 $0x400, s18;
	s20 =	simm.s32 @!p1 $0x0  }
0x1d7: {  	[hbm4b:s19+s20] =	stream.linear.scatter @!p1 [tilespmem:s15], [sflag:$0x1], $0x4000, $0x38;
	[tilespmem:$0x18080] =	vst v63  }
0x1d8: {  	s14 =	sadd.s32 $0x1, s14  }
0x1d9: {  	p1 =	sne.s32 s14, $0x20  }
.Ltmp2:
0x1da: {  	_ = 	snop;
	(pc) =	sbr.rel @p1 .LBB2_2-.Ltmp2, $3  }
0x1db: {  	_ =	sdelay $0x1  }
0x1dc: {  	s13 =	sadd.s32 $0x1, s13  }
0x1dd: {  	p0 =	por !p0, !p0;
	s12 =	sadd.s32 $0xFFFFC000, s12;
	s11 =	sadd.s32 $0xFFFFFFFF, s11  }
0x1de: {  	_ =	swait.ge [sflag:s9], $0x4000  }
0x1df: {  	[sflag:s9] =	ssyncset.done $0x0  }
0x1e0: {  	[sflag:s9] =	ssyncadd.s32 $0xFFFFC000  }
0x1e1: {  	_ =	swait.ge [sflag:s9], $0x4000  }
0x1e2: {  	[sflag:s9] =	ssyncset.done $0x0  }
0x1e3: {  	[sflag:s9] =	ssyncadd.s32 $0xFFFFC000  }
0x1e4: {  	_ =	swait.ge [sflag:s9], $0x4000  }
0x1e5: {  	[sflag:s9] =	ssyncset.done $0x0  }
0x1e6: {  	[sflag:s9] =	ssyncadd.s32 $0xFFFFC000  }
0x1e7: {  	_ =	swait.ge [sflag:s9], $0x4000  }
0x1e8: {  	[sflag:s9] =	ssyncset.done $0x0  }
0x1e9: {  	[sflag:s9] =	ssyncadd.s32 $0xFFFFC000  }
0x1ea: {  	_ =	swait.ge [sflag:s9], $0x4000  }
0x1eb: {  	[sflag:s9] =	ssyncset.done $0x0  }
0x1ec: {  	[sflag:s9] =	ssyncadd.s32 $0xFFFFC000  }
0x1ed: {  	_ =	swait.ge [sflag:s9], $0x4000  }
0x1ee: {  	[sflag:s9] =	ssyncset.done $0x0  }
0x1ef: {  	[sflag:s9] =	ssyncadd.s32 $0xFFFFC000  }
0x1f0: {  	_ =	swait.ge [sflag:s9], $0x4000  }
0x1f1: {  	[sflag:s9] =	ssyncset.done $0x0  }
0x1f2: {  	[sflag:s9] =	ssyncadd.s32 $0xFFFFC000  }
0x1f3: {  	_ =	swait.ge [sflag:s9], $0x4000  }
0x1f4: {  	[sflag:s9] =	ssyncset.done $0x0  }
0x1f5: {  	[sflag:s9] =	ssyncadd.s32 $0xFFFFC000  }
0x1f6: {  	_ =	swait.ge [sflag:s9], $0x4000  }
0x1f7: {  	[sflag:s9] =	ssyncset.done $0x0  }
0x1f8: {  	[sflag:s9] =	ssyncadd.s32 $0xFFFFC000  }
0x1f9: {  	_ =	swait.ge [sflag:s9], $0x4000  }
0x1fa: {  	[sflag:s9] =	ssyncset.done $0x0  }
0x1fb: {  	[sflag:s9] =	ssyncadd.s32 $0xFFFFC000  }
0x1fc: {  	_ =	swait.ge [sflag:s9], $0x4000  }
0x1fd: {  	[sflag:s9] =	ssyncset.done $0x0  }
0x1fe: {  	[sflag:s9] =	ssyncadd.s32 $0xFFFFC000  }
0x1ff: {  	_ =	swait.ge [sflag:s9], $0x4000  }
0x200: {  	[sflag:s9] =	ssyncset.done $0x0  }
0x201: {  	[sflag:s9] =	ssyncadd.s32 $0xFFFFC000  }
0x202: {  	_ =	swait.ge [sflag:s9], $0x4000  }
0x203: {  	[sflag:s9] =	ssyncset.done $0x0  }
0x204: {  	[sflag:s9] =	ssyncadd.s32 $0xFFFFC000  }
0x205: {  	_ =	swait.ge [sflag:s9], $0x4000  }
0x206: {  	[sflag:s9] =	ssyncset.done $0x0  }
0x207: {  	[sflag:s9] =	ssyncadd.s32 $0xFFFFC000  }
0x208: {  	_ =	swait.ge [sflag:s9], $0x4000  }
0x209: {  	[sflag:s9] =	ssyncset.done $0x0  }
0x20a: {  	[sflag:s9] =	ssyncadd.s32 $0xFFFFC000  }
0x20b: {  	_ =	swait.ge [sflag:s9], $0x4000  }
0x20c: {  	[sflag:s9] =	ssyncset.done $0x0  }
0x20d: {  	[sflag:s9] =	ssyncadd.s32 $0xFFFFC000  }
0x20e: {  	_ =	swait.ge [sflag:s9], $0x4000  }
0x20f: {  	[sflag:s9] =	ssyncset.done $0x0  }
0x210: {  	[sflag:s9] =	ssyncadd.s32 $0xFFFFC000  }
0x211: {  	_ =	swait.ge [sflag:s9], $0x4000  }
0x212: {  	[sflag:s9] =	ssyncset.done $0x0  }
0x213: {  	[sflag:s9] =	ssyncadd.s32 $0xFFFFC000  }
0x214: {  	_ =	swait.ge [sflag:s9], $0x4000  }
0x215: {  	[sflag:s9] =	ssyncset.done $0x0  }
0x216: {  	[sflag:s9] =	ssyncadd.s32 $0xFFFFC000  }
0x217: {  	_ =	swait.ge [sflag:s9], $0x4000  }
0x218: {  	[sflag:s9] =	ssyncset.done $0x0  }
0x219: {  	[sflag:s9] =	ssyncadd.s32 $0xFFFFC000  }
0x21a: {  	_ =	swait.ge [sflag:s9], $0x4000  }
0x21b: {  	[sflag:s9] =	ssyncset.done $0x0  }
0x21c: {  	[sflag:s9] =	ssyncadd.s32 $0xFFFFC000  }
0x21d: {  	_ =	swait.ge [sflag:s9], $0x4000  }
0x21e: {  	[sflag:s9] =	ssyncset.done $0x0  }
0x21f: {  	[sflag:s9] =	ssyncadd.s32 $0xFFFFC000  }
0x220: {  	_ =	swait.ge [sflag:s9], $0x4000  }
0x221: {  	[sflag:s9] =	ssyncset.done $0x0  }
0x222: {  	[sflag:s9] =	ssyncadd.s32 $0xFFFFC000  }
0x223: {  	_ =	swait.ge [sflag:s9], $0x4000  }
0x224: {  	[sflag:s9] =	ssyncset.done $0x0  }
0x225: {  	[sflag:s9] =	ssyncadd.s32 $0xFFFFC000  }
0x226: {  	_ =	swait.ge [sflag:s9], $0x4000  }
0x227: {  	[sflag:s9] =	ssyncset.done $0x0  }
0x228: {  	[sflag:s9] =	ssyncadd.s32 $0xFFFFC000  }
0x229: {  	_ =	swait.ge [sflag:s9], $0x4000  }
0x22a: {  	[sflag:s9] =	ssyncset.done $0x0  }
0x22b: {  	[sflag:s9] =	ssyncadd.s32 $0xFFFFC000  }
0x22c: {  	_ =	swait.ge [sflag:s9], $0x4000  }
0x22d: {  	[sflag:s9] =	ssyncset.done $0x0  }
0x22e: {  	[sflag:s9] =	ssyncadd.s32 $0xFFFFC000  }
0x22f: {  	_ =	swait.ge [sflag:s9], $0x4000  }
0x230: {  	[sflag:s9] =	ssyncset.done $0x0  }
0x231: {  	[sflag:s9] =	ssyncadd.s32 $0xFFFFC000  }
0x232: {  	_ =	swait.ge [sflag:s9], $0x4000  }
0x233: {  	[sflag:s9] =	ssyncset.done $0x0  }
0x234: {  	[sflag:s9] =	ssyncadd.s32 $0xFFFFC000  }
0x235: {  	_ =	swait.ge [sflag:s9], $0x4000  }
0x236: {  	[sflag:s9] =	ssyncset.done $0x0  }
0x237: {  	s10 =	sadd.s32 $0x1, s10;
	[sflag:s9] =	ssyncadd.s32 $0xFFFFC000  }
0x238: {  	p0 =	sne.s32 s10, s4;
	_ =	swait.ge [sflag:s9], $0x4000  }
.Ltmp3:
0x239: {  	[sflag:s9] =	ssyncset.done $0x0;
	(pc) =	sbr.rel @p0 .LBB2_1-.Ltmp3, $4  }
0x23a: {  	[sflag:s9] =	ssyncadd.s32 $0xFFFFC000  }
0x23b: {  	_ =	swait.ge [sflag:s9], $0x4000  }
0x23c: {  	[sflag:s9] =	ssyncset.done $0x0  }
0x23d: {  	[sflag:s9] =	ssyncadd.s32 $0xFFFFC000  }
0x23e: {  	_ =	sfence.sel $0x180000  }
0x23f: {  	[bflag:$0x0] =	sbarrier.arrive $0xFFFF  }
0x240: {  	p0 =	sne.s32 s1, $0x0;
	_ =	strace $0x90000047  }
0x241: {  	s0 =	sadd.s32 @!p0 $0x100000, s0;
	[bflag:$0x2] =	sbarrier.arrive $0xFFFF  }
0x242: {  	[sflag:s0] =	ssyncadd.tile.s32 @!p0 $0x1;
	_ =	shalt  }
.Lfunc_end2:
_tile_overlayer_lowered:
.L_overlay_start_2:
0x243: {  	(tag) =	ssettag $0x2  }
0x244: {  	s0 =	rddreg [dreg:$0x0];
	s2 =	stileid.u32  }
0x245: {  	s1 =	rddreg [dreg:$0x1];
	p0 =	sne.s32 s2, $0x0  }
0x246: {  	s3 =	rddreg [dreg:$0x2];
	[bflag:$0x3] =	sbarrier.arrive $0xFFFF;
	s2 =	simm.s32 @!p0 $0x1C02  }
0x247: {  	[timem:s3], [sflag:s2] =	dma.local @!p0 [hbm:s0], s1  }
0x248: {  	s0 =	simm.s32 @!p0 $0x2  }
0x249: {  	_ =	swait.ge @!p0 [sflag:s0], s1  }
0x24a: {  	s1 =	ssub.s32 @!p0 $0x0, s1;
	[sflag:s0] =	ssyncset.done @!p0 $0x0  }
0x24b: {  	[sflag:s0] =	ssyncadd.s32 @!p0 s1  }
0x24c: {  	[bflag:$0x3] =	sbarrier.arrive $0xFFFF  }
0x24d: {  	_ =	shalt  }

</sc_bundles>
